<compile_context>
chip_gen: v7x
topology: tpu7x:2x2x1
jax: 0.10.2.dev20260603
libtpu: 0.0.44.dev20260713+nightly
codegen_flags: <defaults>
</compile_context>

<pallas_src>
import functools

import jax
import jax.numpy as jnp
from jax import lax
from jax.experimental import pallas as pl
from jax.experimental.pallas import tpu as pltpu
from jax.experimental.pallas import tpu_sc as plsc

BATCH = 4
CHANNELS = 256
HH = 56
WW = 56
RATS = ((8, 8), (12, 12), (16, 16))
NSEL = (2, 3, 2)
OUTS = (49, 45, 41)
GOFF = (0, 2401, 4426)
ROWOFF = (0, 49, 94)
NROWS = 135
WPAD = 64
NEG_INF = float("-inf")


def _tc_body(x_ref, maps_ref):
    for i in range(2):
        smap = jnp.sum(x_ref[i], axis=0)
        for (h, w), out_w, r0 in zip(RATS, OUTS, ROWOFF):
            acc = smap[:, 0:out_w]
            for dj in range(1, w):
                acc = acc + smap[:, dj:dj + out_w]
            accv = acc[0:out_w, :]
            for di in range(1, h):
                accv = accv + acc[di:di + out_w, :]
            pooled = accv / jnp.float32(h * w)
            pad = jnp.full((out_w, WPAD - out_w), NEG_INF, jnp.float32)
            maps_ref[i, r0:r0 + out_w] = jnp.concatenate([pooled, pad], axis=1)


def _tc_stage(x):
    return pl.pallas_call(
        _tc_body,
        grid=(BATCH // 2,),
        in_specs=[pl.BlockSpec((2, CHANNELS, HH, WW), lambda b: (b, 0, 0, 0))],
        out_specs=pl.BlockSpec((2, NROWS, WPAD), lambda b: (b, 0, 0)),
        out_shape=jax.ShapeDtypeStruct((BATCH, NROWS, WPAD), jnp.float32),
        compiler_params=pltpu.CompilerParams(
            dimension_semantics=("parallel",)),
    )(x)


@functools.partial(
    pl.kernel,
    mesh=plsc.VectorSubcoreMesh(core_axis_name="c", subcore_axis_name="s"),
    out_type=[
        jax.ShapeDtypeStruct((96,), jnp.int32),
        jax.ShapeDtypeStruct((96,), jnp.float32),
    ],
    scratch_types=[
        pltpu.VMEM((OUTS[0] * WPAD,), jnp.float32),
        pltpu.VMEM((16,), jnp.int32),
        pltpu.VMEM((16,), jnp.float32),
    ],
    compiler_params=pltpu.CompilerParams(needs_layout_passes=False),
)
def _sc_nms(maps_hbm, idx_hbm, sc_hbm, map_v, idxb, scb):
    cid = lax.axis_index("c")
    sid = lax.axis_index("s")
    wid = sid * 2 + cid
    lane = lax.iota(jnp.int32, 16)
    for g in range(3):
        h, w = RATS[g]
        hg = OUTS[g]
        nsel = NSEL[g]
        nch = hg * (WPAD // 16)

        @pl.when((wid >= 4 * g) & (wid < 4 * g + 4))
        def _(g=g, h=h, w=w, hg=hg, nsel=nsel, nch=nch):
            b = wid - 4 * g
            n = hg * WPAD
            src0 = b * NROWS * WPAD + ROWOFF[g] * WPAD
            pltpu.sync_copy(maps_hbm.at[pl.ds(src0, n)], map_v.at[pl.ds(0, n)])
            sels, scs = [], []

            for t in range(nsel):
                def scanfn(i, carry):
                    vmax, lastc = carry
                    v = map_v[pl.ds(i * 16, 16)]
                    upd = v >= vmax
                    return (jnp.maximum(vmax, v),
                            jnp.where(upd, i, lastc))

                vmax, lastc = lax.fori_loop(
                    0, nch, scanfn,
                    (jnp.full((16,), NEG_INF, jnp.float32),
                     jnp.zeros((16,), jnp.int32)))
                mx = jnp.max(vmax)
                flat = lastc * 16 + lane
                selflat = jnp.max(jnp.where(vmax == mx, flat, jnp.int32(-1)))
                si = selflat >> 6
                sj = selflat & 63
                sels.append(GOFF[g] + si * hg + sj)
                scs.append(mx)

                if t < nsel - 1:
                    k0 = jnp.maximum(si - (h - 1), 0) * (WPAD // 16)
                    k1 = jnp.minimum(si + h, hg) * (WPAD // 16)

                    def killfn(i, _):
                        rr = i >> 2
                        cc = (i & 3) * 16 + lane
                        dl1 = jnp.maximum(h - jnp.abs(rr - si), 0)
                        dl2 = jnp.maximum(w - jnp.abs(cc - sj), 0)
                        kill = ((5 * dl1 * dl2 > 2 * h * w)
                                | ((rr == si) & (cc == sj)))
                        v = map_v[pl.ds(i * 16, 16)]
                        map_v[pl.ds(i * 16, 16)] = jnp.where(kill, NEG_INF, v)
                        return 0

                    lax.fori_loop(k0, k1, killfn, 0)

            idxvec = jnp.zeros((16,), jnp.int32)
            scvec = jnp.zeros((16,), jnp.float32)
            for t in range(nsel):
                idxvec = jnp.where(lane == t, sels[t], idxvec)
                scvec = jnp.where(lane == t, scs[t], scvec)
            idxb[...] = idxvec
            scb[...] = scvec
            t_out = (b * 3 + g) * 8
            pltpu.sync_copy(idxb.at[pl.ds(0, 8)], idx_hbm.at[pl.ds(t_out, 8)])
            pltpu.sync_copy(scb.at[pl.ds(0, 8)], sc_hbm.at[pl.ds(t_out, 8)])


def kernel(x, coordinates_cat):
    maps = _tc_stage(x)
    idx, sc = _sc_nms(maps.reshape(-1))
    window_scores = jnp.concatenate(
        [maps[:, ROWOFF[g]:ROWOFF[g] + OUTS[g], :OUTS[g]].reshape(BATCH, -1)
         for g in range(3)], axis=1)
    idx = idx.reshape(BATCH, 3, 8)
    sc = sc.reshape(BATCH, 3, 8)
    proposal_idx = jnp.concatenate(
        [idx[:, 0, :2], idx[:, 1, :3], idx[:, 2, :2]], axis=1)
    proposal_sc = jnp.concatenate(
        [sc[:, 0, :2], sc[:, 1, :3], sc[:, 2, :2]], axis=1)
    return (proposal_idx, proposal_sc, window_scores)

# --- scband reference (transcript-rebuilt; emitter-appended) ---
"""Pipeline reference for scband-appm-8031588843744 (READ-ONLY COPY).

The authoritative reference and input builder live on the scoring server;
editing this copy changes nothing except your own understanding.
"""

import jax, jax.numpy as jnp
import numpy as np

BATCH = 4
CHANNELS = 256
H = 56
W = 56
STRIDE = 8
RATIOS = [(8, 8), (12, 12), (16, 16)]
N_LIST = [2, 3, 2]
PROPOSALN = 7
IOU_THRESHS = [0.25, 0.25, 0.25]
WINDOW_NUMS = [(H - h + 1) * (W - w + 1) for (h, w) in RATIOS]
WINDOW_NUMS_SUM = [0] + WINDOW_NUMS


def compute_coordinates():
    coords = []
    for (h, w) in RATIOS:
        for i in range(H - h + 1):
            for j in range(W - w + 1):
                coords.append([i * STRIDE, j * STRIDE, (i + h) * STRIDE - 1, (j + w) * STRIDE - 1])
    return np.array(coords, dtype=np.float32)


def nms(scores_np, proposalN, iou_threshs, coordinates):
    windows_num = scores_np.shape[0]
    indices_coordinates = np.concatenate((scores_np, coordinates), 1)
    indices = np.argsort(indices_coordinates[:, 0])
    indices_coordinates = np.concatenate((indices_coordinates, np.arange(0, windows_num).reshape(windows_num, 1)), 1)[indices]
    indices_results = []
    res = indices_coordinates
    while res.any():
        indice_coordinates = res[-1]
        indices_results.append(indice_coordinates[5])
        if len(indices_results) == proposalN:
            return np.array(indices_results).reshape(1, proposalN).astype(int)
        res = res[:-1]
        start_max = np.maximum(res[:, 1:3], indice_coordinates[1:3])
        end_min = np.minimum(res[:, 3:5], indice_coordinates[3:5])
        lengths = end_min - start_max + 1
        intersec_map = lengths[:, 0] * lengths[:, 1]
        intersec_map[np.logical_or(lengths[:, 0] < 0, lengths[:, 1] < 0)] = 0
        iou_map_cur = intersec_map / ((res[:, 3] - res[:, 1] + 1) * (res[:, 4] - res[:, 2] + 1) + (indice_coordinates[3] - indice_coordinates[1] + 1) * (indice_coordinates[4] - indice_coordinates[2] + 1) - intersec_map)
        res = res[iou_map_cur <= iou_threshs]
    while len(indices_results) != proposalN:
        indices_results.append(indice_coordinates[5])
    return np.array(indices_results).reshape(1, -1).astype(int)


def nms_traced(scores, coordinates, proposalN, iou_threshs):
    windows_num = scores.shape[0]
    idxs = jnp.arange(windows_num, dtype=jnp.int32)
    areas = (coordinates[:, 2] - coordinates[:, 0] + 1) * (coordinates[:, 3] - coordinates[:, 1] + 1)

    def body(carry, _):
        alive, prev = carry
        any_alive = jnp.any(alive)
        masked_scores = jnp.where(alive, scores, -jnp.inf)
        max_score = jnp.max(masked_scores)
        sel = jnp.max(jnp.where(alive & (masked_scores == max_score), idxs, jnp.int32(-1)))
        sel = jnp.where(any_alive, sel, prev)
        sel_coords = coordinates[sel]
        start_max = jnp.maximum(coordinates[:, 0:2], sel_coords[0:2])
        end_min = jnp.minimum(coordinates[:, 2:4], sel_coords[2:4])
        lengths = end_min - start_max + 1
        intersec_map = lengths[:, 0] * lengths[:, 1]
        intersec_map = jnp.where(jnp.logical_or(lengths[:, 0] < 0, lengths[:, 1] < 0), jnp.float32(0), intersec_map)
        sel_area = (sel_coords[2] - sel_coords[0] + 1) * (sel_coords[3] - sel_coords[1] + 1)
        iou_map_cur = intersec_map / (areas + sel_area - intersec_map)
        new_alive = alive & (iou_map_cur <= iou_threshs) & (idxs != sel)
        new_alive = jnp.where(any_alive, new_alive, alive)
        return (new_alive, sel), sel

    init = (jnp.ones((windows_num,), dtype=bool), jnp.int32(0))
    (_, _), sels = jax.lax.scan(body, init, None, length=proposalN)
    return sels


def avg_pool(x, h, w):
    s = jax.lax.reduce_window(x, 0.0, jax.lax.add, (1, 1, h, w), (1, 1, 1, 1), 'VALID')
    return s / float(h * w)


def setup_inputs(seed: int = 0):
    key = jax.random.key(seed)
    x = jax.random.normal(key, (BATCH, CHANNELS, H, W), dtype=jnp.float32)
    coordinates_cat = jnp.asarray(compute_coordinates())
    return {"x": x, "coordinates_cat": coordinates_cat}


def reference(x, coordinates_cat):
    batch = x.shape[0]
    avgs = [avg_pool(x, h, w) for (h, w) in RATIOS]
    fm_sum = [jnp.sum(a, axis=1) for a in avgs]
    all_scores = jnp.concatenate([f.reshape(batch, -1, 1) for f in fm_sum], axis=1)
    window_scores = all_scores.reshape(batch, -1)
    scores_flat = all_scores[:, :, 0]
    proposalN_indices = []
    for i in range(batch):
        indices_results = []
        for j in range(len(WINDOW_NUMS_SUM) - 1):
            s0 = sum(WINDOW_NUMS_SUM[:j + 1])
            s1 = sum(WINDOW_NUMS_SUM[:j + 2])
            indices_results.append(nms_traced(scores_flat[i, s0:s1], coordinates_cat[s0:s1], proposalN=N_LIST[j], iou_threshs=IOU_THRESHS[j]) + s0)
        proposalN_indices.append(jnp.concatenate(indices_results))
    proposalN_indices = jnp.stack(proposalN_indices).reshape(batch, PROPOSALN).astype(jnp.int32)
    proposalN_windows_scores = jnp.take_along_axis(window_scores, proposalN_indices, axis=1)
    return (proposalN_indices, proposalN_windows_scores, window_scores)

if __name__ == "__main__":
    import jax
    _d = setup_inputs()
    print(jax.jit(kernel)(*tuple(_d.values())))

</pallas_src>

<mosaic_0001>
#map = affine_map<(d0, d1) -> (0)>
module attributes {stable_mosaic.version = 14 : i64} {
  func.func @_sc_nms(%arg0: i32, %arg1: i32, %arg2: memref<34560xf32, #tpu.memory_space<hbm>>, %arg3: memref<96xi32, #tpu.memory_space<hbm>>, %arg4: memref<96xf32, #tpu.memory_space<hbm>>, %arg5: memref<3136xf32, #tpu.memory_space<vmem>>, %arg6: memref<16xi32, #tpu.memory_space<vmem>>, %arg7: memref<16xf32, #tpu.memory_space<vmem>>) attributes {dimension_semantics = [#tpu.dimension_semantics<core_parallel>, #tpu.dimension_semantics<subcore_parallel>], iteration_bounds = array<i64: 2, 16>, scalar_prefetch = 0 : i64, scratch_operands = 3 : i64, tpu.core_type = #tpu.core_type<sc_vector_subcore>, window_params = [{transform_indices = #map}, {transform_indices = #map}, {transform_indices = #map}]} {
    %mul3A = arith.constant 2 : i32
    %mul3A_0 = arith.muli %arg1, %mul3A : i32
    %add3A = arith.addi %mul3A_0, %arg0 : i32
    %iota3A = tpu.iota {dimensions = array<i32: 0>} : vector<16xi32>
    %ge3A = arith.constant 0 : i32
    %ge3A_1 = arith.cmpi sge, %add3A, %ge3A : i32
    %lt3A = arith.constant 4 : i32
    %lt3A_2 = arith.cmpi slt, %add3A, %lt3A : i32
    %and3A = arith.andi %ge3A_1, %lt3A_2 : i1
    %convert_element_type3A = arith.extui %and3A : i1 to i32
    %cond3A = arith.constant 0 : i32
    %cond3A_3 = arith.cmpi ne, %convert_element_type3A, %cond3A : i32
    scf.if %cond3A_3 {
      %sub3A = arith.constant 0 : i32
      %sub3A_20 = arith.subi %add3A, %sub3A : i32
      %mul3A_21 = arith.constant 135 : i32
      %mul3A_22 = arith.muli %sub3A_20, %mul3A_21 : i32
      %mul3A_23 = arith.constant 64 : i32
      %mul3A_24 = arith.muli %mul3A_22, %mul3A_23 : i32
      %add3A_25 = arith.constant 0 : i32
      %add3A_26 = arith.addi %mul3A_24, %add3A_25 : i32
      "tpu.region"() ({
        %run_scoped3A = tpu.sem_alloc : memref<!tpu.dma_semaphore, #tpu.memory_space<semaphore_mem>>
        %dma_start3A = arith.constant 0 : i32
        %dma_start3A_153 = tpu.memref_slice %arg5[%dma_start3A] : memref<3136xf32, #tpu.memory_space<vmem>> -> memref<3136xf32, #tpu.memory_space<vmem>>
        %dma_start3A_154 = tpu.memref_slice %arg2[%add3A_26] : memref<34560xf32, #tpu.memory_space<hbm>> -> memref<3136xf32, #tpu.memory_space<hbm>>
        %dma_start3A_155 = arith.constant 0 : i32
        %dma_start3A_156 = tpu.memref_slice %arg5[%dma_start3A_155] : memref<3136xf32, #tpu.memory_space<vmem>> -> memref<3136xf32, #tpu.memory_space<vmem>>
        %dma_start3A_157 = tpu.memref_slice %arg2[%add3A_26] : memref<34560xf32, #tpu.memory_space<hbm>> -> memref<3136xf32, #tpu.memory_space<hbm>>
        tpu.enqueue_dma source(%dma_start3A_157 : memref<3136xf32, #tpu.memory_space<hbm>>) target(%dma_start3A_156 : memref<3136xf32, #tpu.memory_space<vmem>>) target_semaphore(%run_scoped3A : memref<!tpu.dma_semaphore, #tpu.memory_space<semaphore_mem>>)
        %dma_wait3A = arith.constant 0 : i32
        %dma_wait3A_158 = tpu.memref_slice %arg5[%dma_wait3A] : memref<3136xf32, #tpu.memory_space<vmem>> -> memref<3136xf32, #tpu.memory_space<vmem>>
        %dma_wait3A_159 = tpu.memref_slice %arg2[%add3A_26] : memref<34560xf32, #tpu.memory_space<hbm>> -> memref<3136xf32, #tpu.memory_space<hbm>>
        %dma_wait3A_160 = arith.constant 0 : i32
        %dma_wait3A_161 = tpu.memref_slice %arg5[%dma_wait3A_160] : memref<3136xf32, #tpu.memory_space<vmem>> -> memref<3136xf32, #tpu.memory_space<vmem>>
        %dma_wait3A_162 = tpu.memref_slice %arg2[%add3A_26] : memref<34560xf32, #tpu.memory_space<hbm>> -> memref<3136xf32, #tpu.memory_space<hbm>>
        tpu.wait_dma2 semaphore(%run_scoped3A : memref<!tpu.dma_semaphore, #tpu.memory_space<semaphore_mem>>) src(%dma_wait3A_162 : memref<3136xf32, #tpu.memory_space<hbm>>) dst(%dma_wait3A_161 : memref<3136xf32, #tpu.memory_space<vmem>>)
        tpu.yield
      }) : () -> ()
      %broadcast_in_dim3A = arith.constant 0xFF800000 : f32
      %broadcast_in_dim3A_27 = vector.broadcast %broadcast_in_dim3A : f32 to vector<16xf32>
      %broadcast_in_dim3A_28 = arith.constant 0 : i32
      %broadcast_in_dim3A_29 = vector.broadcast %broadcast_in_dim3A_28 : i32 to vector<16xi32>
      %scan3A = arith.constant 0 : i32
      %scan3A_30 = arith.constant 196 : i32
      %scan3A_31 = arith.addi %scan3A, %scan3A_30 : i32
      %scan3A_32 = arith.constant 1 : i32
      %scan3A_33:2 = scf.for %scan3A_153 = %scan3A to %scan3A_31 step %scan3A_32 iter_args(%scan3A_154 = %broadcast_in_dim3A_27, %scan3A_155 = %broadcast_in_dim3A_29) -> (vector<16xf32>, vector<16xi32>)  : i32 {
        %mul3A_156 = arith.constant 16 : i32
        %mul3A_157 = arith.muli %scan3A_153, %mul3A_156 : i32
        %get3A = arith.index_cast %mul3A_157 : i32 to index
        %get3A_158 = tpu.vector_load %arg5[%get3A] {strides = array<i32>} : memref<3136xf32, #tpu.memory_space<vmem>>, vector<16xf32>,
        %ge3A_159 = arith.cmpf oge, %get3A_158, %scan3A_154 : vector<16xf32>
        %max3A_160 = arith.maximumf %scan3A_154, %get3A_158 : vector<16xf32>
        %broadcast_in_dim3A_161 = vector.broadcast %scan3A_153 : i32 to vector<16xi32>
        %select_n3A_162 = arith.select %ge3A_159, %broadcast_in_dim3A_161, %scan3A_155 : vector<16xi1>, vector<16xi32>
        scf.yield %max3A_160, %select_n3A_162 : vector<16xf32>, vector<16xi32>
      }
      %scan3A_34 = arith.constant 196 : i32
      %reduce_max3A = arith.constant true
      %reduce_max3A_35 = vector.broadcast %reduce_max3A : i1 to vector<16xi1>
      %reduce_max3A_36 = tpu.scan <max>, %scan3A_33#0 masked %reduce_max3A_35 : vector<16xf32>, vector<16xi1> -> vector<16xf32>
      %reduce_max3A_37 = vector.extract %reduce_max3A_36[15] : f32 from vector<16xf32>
      %mul3A_38 = arith.constant 16 : i32
      %mul3A_39 = vector.broadcast %mul3A_38 : i32 to vector<16xi32>
      %mul3A_40 = arith.muli %scan3A_33#1, %mul3A_39 : vector<16xi32>
      %add3A_41 = arith.addi %mul3A_40, %iota3A : vector<16xi32>
      %eq3A = vector.broadcast %reduce_max3A_37 : f32 to vector<16xf32>
      %eq3A_42 = arith.cmpf oeq, %scan3A_33#0, %eq3A : vector<16xf32>
      %jit3A = arith.constant -1 : i32
      %broadcast_in_dim3A_43 = vector.broadcast %jit3A : i32 to vector<16xi32>
      %select_n3A = arith.select %eq3A_42, %add3A_41, %broadcast_in_dim3A_43 : vector<16xi1>, vector<16xi32>
      %reduce_max3A_44 = arith.constant true
      %reduce_max3A_45 = vector.broadcast %reduce_max3A_44 : i1 to vector<16xi1>
      %reduce_max3A_46 = arith.constant -2147483648 : i32
      %reduce_max3A_47 = vector.broadcast %reduce_max3A_46 : i32 to vector<16xi32>
      %reduce_max3A_48 = arith.xori %select_n3A, %reduce_max3A_47 : vector<16xi32>
      %reduce_max3A_49 = tpu.scan <max>, %reduce_max3A_48 masked %reduce_max3A_45 : vector<16xi32>, vector<16xi1> -> vector<16xi32>
      %reduce_max3A_50 = arith.xori %reduce_max3A_49, %reduce_max3A_47 : vector<16xi32>
      %reduce_max3A_51 = vector.extract %reduce_max3A_50[15] : i32 from vector<16xi32>
      %shift_right_arithmetic3A = arith.constant 6 : i32
      %shift_right_arithmetic3A_52 = arith.shrsi %reduce_max3A_51, %shift_right_arithmetic3A : i32
      %and3A_53 = arith.constant 63 : i32
      %and3A_54 = arith.andi %reduce_max3A_51, %and3A_53 : i32
      %mul3A_55 = arith.constant 49 : i32
      %mul3A_56 = arith.muli %shift_right_arithmetic3A_52, %mul3A_55 : i32
      %add3A_57 = arith.constant 0 : i32
      %add3A_58 = arith.addi %add3A_57, %mul3A_56 : i32
      %add3A_59 = arith.addi %add3A_58, %and3A_54 : i32
      %sub3A_60 = arith.constant 7 : i32
      %sub3A_61 = arith.subi %shift_right_arithmetic3A_52, %sub3A_60 : i32
      %max3A = arith.constant 0 : i32
      %max3A_62 = arith.maxsi %sub3A_61, %max3A : i32
      %mul3A_63 = arith.constant 4 : i32
      %mul3A_64 = arith.muli %max3A_62, %mul3A_63 : i32
      %add3A_65 = arith.constant 8 : i32
      %add3A_66 = arith.addi %shift_right_arithmetic3A_52, %add3A_65 : i32
      %min3A = arith.constant 49 : i32
      %min3A_67 = arith.minsi %add3A_66, %min3A : i32
      %mul3A_68 = arith.constant 4 : i32
      %mul3A_69 = arith.muli %min3A_67, %mul3A_68 : i32
      %while3A = arith.constant 0 : i32
      %while3A_70 = arith.subi %mul3A_69, %mul3A_64 : i32
      %while3A_71 = arith.addi %mul3A_64, %while3A_70 : i32
      %while3A_72 = arith.constant 1 : i32
      %while3A_73 = arith.divsi %while3A_70, %while3A_72 : i32
      %while3A_74 = arith.muli %while3A_73, %while3A_72 : i32
      %while3A_75 = arith.addi %mul3A_64, %while3A_74 : i32
      %while3A_76 = arith.constant 1 : i32
      %while3A_77 = scf.for %while3A_153 = %mul3A_64 to %while3A_75 step %while3A_76 iter_args(%while3A_154 = %while3A) -> (i32)  : i32 {
        %shift_right_arithmetic3A_155 = arith.constant 2 : i32
        %shift_right_arithmetic3A_156 = arith.shrsi %while3A_153, %shift_right_arithmetic3A_155 : i32
        %and3A_157 = arith.constant 3 : i32
        %and3A_158 = arith.andi %while3A_153, %and3A_157 : i32
        %mul3A_159 = arith.constant 16 : i32
        %mul3A_160 = arith.muli %and3A_158, %mul3A_159 : i32
        %add3A_161 = vector.broadcast %mul3A_160 : i32 to vector<16xi32>
        %add3A_162 = arith.addi %add3A_161, %iota3A : vector<16xi32>
        %sub3A_163 = arith.subi %shift_right_arithmetic3A_156, %shift_right_arithmetic3A_52 : i32
        %abs3A = math.absi %sub3A_163 : i32
        %sub3A_164 = arith.constant 8 : i32
        %sub3A_165 = arith.subi %sub3A_164, %abs3A : i32
        %max3A_166 = arith.constant 0 : i32
        %max3A_167 = arith.maxsi %sub3A_165, %max3A_166 : i32
        %sub3A_168 = vector.broadcast %and3A_54 : i32 to vector<16xi32>
        %sub3A_169 = arith.subi %add3A_162, %sub3A_168 : vector<16xi32>
        %abs3A_170 = math.absi %sub3A_169 : vector<16xi32>
        %sub3A_171 = arith.constant 8 : i32
        %sub3A_172 = vector.broadcast %sub3A_171 : i32 to vector<16xi32>
        %sub3A_173 = arith.subi %sub3A_172, %abs3A_170 : vector<16xi32>
        %max3A_174 = arith.constant 0 : i32
        %max3A_175 = vector.broadcast %max3A_174 : i32 to vector<16xi32>
        %max3A_176 = arith.maxsi %sub3A_173, %max3A_175 : vector<16xi32>
        %mul3A_177 = arith.constant 5 : i32
        %mul3A_178 = arith.muli %mul3A_177, %max3A_167 : i32
        %mul3A_179 = vector.broadcast %mul3A_178 : i32 to vector<16xi32>
        %mul3A_180 = arith.muli %mul3A_179, %max3A_176 : vector<16xi32>
        %gt3A = arith.constant 128 : i32
        %gt3A_181 = vector.broadcast %gt3A : i32 to vector<16xi32>
        %gt3A_182 = arith.cmpi sgt, %mul3A_180, %gt3A_181 : vector<16xi32>
        %eq3A_183 = arith.cmpi eq, %shift_right_arithmetic3A_156, %shift_right_arithmetic3A_52 : i32
        %eq3A_184 = vector.broadcast %and3A_54 : i32 to vector<16xi32>
        %eq3A_185 = arith.cmpi eq, %add3A_162, %eq3A_184 : vector<16xi32>
        %and3A_186 = vector.broadcast %eq3A_183 : i1 to vector<16xi1>
        %and3A_187 = arith.andi %and3A_186, %eq3A_185 : vector<16xi1>
        %or3A = arith.ori %gt3A_182, %and3A_187 : vector<16xi1>
        %mul3A_188 = arith.constant 16 : i32
        %mul3A_189 = arith.muli %while3A_153, %mul3A_188 : i32
        %get3A = arith.index_cast %mul3A_189 : i32 to index
        %get3A_190 = tpu.vector_load %arg5[%get3A] {strides = array<i32>} : memref<3136xf32, #tpu.memory_space<vmem>>, vector<16xf32>,
        %jit3A_191 = arith.constant 0xFF800000 : f32
        %broadcast_in_dim3A_192 = vector.broadcast %jit3A_191 : f32 to vector<16xf32>
        %select_n3A_193 = arith.select %or3A, %broadcast_in_dim3A_192, %get3A_190 : vector<16xi1>, vector<16xf32>
        %mul3A_194 = arith.constant 16 : i32
        %mul3A_195 = arith.muli %while3A_153, %mul3A_194 : i32
        %swap3A_196 = arith.index_cast %mul3A_195 : i32 to index
        %swap3A_197 = tpu.vector_load %arg5[%swap3A_196] {strides = array<i32>} : memref<3136xf32, #tpu.memory_space<vmem>>, vector<16xf32>,
        tpu.vector_store %arg5[%swap3A_196], %select_n3A_193 {strides = array<i32>} : memref<3136xf32, #tpu.memory_space<vmem>>, vector<16xf32>,
        %while3A_198 = arith.constant 0 : i32
        scf.yield %while3A_198 : i32
      }
      %while3A_78 = arith.constant 1 : i32
      %while3A_79 = scf.for %while3A_153 = %while3A_75 to %while3A_71 step %while3A_78 iter_args(%while3A_154 = %while3A_77) -> (i32)  : i32 {
        %shift_right_arithmetic3A_155 = arith.constant 2 : i32
        %shift_right_arithmetic3A_156 = arith.shrsi %while3A_153, %shift_right_arithmetic3A_155 : i32
        %and3A_157 = arith.constant 3 : i32
        %and3A_158 = arith.andi %while3A_153, %and3A_157 : i32
        %mul3A_159 = arith.constant 16 : i32
        %mul3A_160 = arith.muli %and3A_158, %mul3A_159 : i32
        %add3A_161 = vector.broadcast %mul3A_160 : i32 to vector<16xi32>
        %add3A_162 = arith.addi %add3A_161, %iota3A : vector<16xi32>
        %sub3A_163 = arith.subi %shift_right_arithmetic3A_156, %shift_right_arithmetic3A_52 : i32
        %abs3A = math.absi %sub3A_163 : i32
        %sub3A_164 = arith.constant 8 : i32
        %sub3A_165 = arith.subi %sub3A_164, %abs3A : i32
        %max3A_166 = arith.constant 0 : i32
        %max3A_167 = arith.maxsi %sub3A_165, %max3A_166 : i32
        %sub3A_168 = vector.broadcast %and3A_54 : i32 to vector<16xi32>
        %sub3A_169 = arith.subi %add3A_162, %sub3A_168 : vector<16xi32>
        %abs3A_170 = math.absi %sub3A_169 : vector<16xi32>
        %sub3A_171 = arith.constant 8 : i32
        %sub3A_172 = vector.broadcast %sub3A_171 : i32 to vector<16xi32>
        %sub3A_173 = arith.subi %sub3A_172, %abs3A_170 : vector<16xi32>
        %max3A_174 = arith.constant 0 : i32
        %max3A_175 = vector.broadcast %max3A_174 : i32 to vector<16xi32>
        %max3A_176 = arith.maxsi %sub3A_173, %max3A_175 : vector<16xi32>
        %mul3A_177 = arith.constant 5 : i32
        %mul3A_178 = arith.muli %mul3A_177, %max3A_167 : i32
        %mul3A_179 = vector.broadcast %mul3A_178 : i32 to vector<16xi32>
        %mul3A_180 = arith.muli %mul3A_179, %max3A_176 : vector<16xi32>
        %gt3A = arith.constant 128 : i32
        %gt3A_181 = vector.broadcast %gt3A : i32 to vector<16xi32>
        %gt3A_182 = arith.cmpi sgt, %mul3A_180, %gt3A_181 : vector<16xi32>
        %eq3A_183 = arith.cmpi eq, %shift_right_arithmetic3A_156, %shift_right_arithmetic3A_52 : i32
        %eq3A_184 = vector.broadcast %and3A_54 : i32 to vector<16xi32>
        %eq3A_185 = arith.cmpi eq, %add3A_162, %eq3A_184 : vector<16xi32>
        %and3A_186 = vector.broadcast %eq3A_183 : i1 to vector<16xi1>
        %and3A_187 = arith.andi %and3A_186, %eq3A_185 : vector<16xi1>
        %or3A = arith.ori %gt3A_182, %and3A_187 : vector<16xi1>
        %mul3A_188 = arith.constant 16 : i32
        %mul3A_189 = arith.muli %while3A_153, %mul3A_188 : i32
        %get3A = arith.index_cast %mul3A_189 : i32 to index
        %get3A_190 = tpu.vector_load %arg5[%get3A] {strides = array<i32>} : memref<3136xf32, #tpu.memory_space<vmem>>, vector<16xf32>,
        %jit3A_191 = arith.constant 0xFF800000 : f32
        %broadcast_in_dim3A_192 = vector.broadcast %jit3A_191 : f32 to vector<16xf32>
        %select_n3A_193 = arith.select %or3A, %broadcast_in_dim3A_192, %get3A_190 : vector<16xi1>, vector<16xf32>
        %mul3A_194 = arith.constant 16 : i32
        %mul3A_195 = arith.muli %while3A_153, %mul3A_194 : i32
        %swap3A_196 = arith.index_cast %mul3A_195 : i32 to index
        %swap3A_197 = tpu.vector_load %arg5[%swap3A_196] {strides = array<i32>} : memref<3136xf32, #tpu.memory_space<vmem>>, vector<16xf32>,
        tpu.vector_store %arg5[%swap3A_196], %select_n3A_193 {strides = array<i32>} : memref<3136xf32, #tpu.memory_space<vmem>>, vector<16xf32>,
        %while3A_198 = arith.constant 0 : i32
        scf.yield %while3A_198 : i32
      }
      %broadcast_in_dim3A_80 = arith.constant 0xFF800000 : f32
      %broadcast_in_dim3A_81 = vector.broadcast %broadcast_in_dim3A_80 : f32 to vector<16xf32>
      %broadcast_in_dim3A_82 = arith.constant 0 : i32
      %broadcast_in_dim3A_83 = vector.broadcast %broadcast_in_dim3A_82 : i32 to vector<16xi32>
      %scan3A_84 = arith.constant 0 : i32
      %scan3A_85 = arith.constant 196 : i32
      %scan3A_86 = arith.addi %scan3A_84, %scan3A_85 : i32
      %scan3A_87 = arith.constant 1 : i32
      %scan3A_88:2 = scf.for %scan3A_153 = %scan3A_84 to %scan3A_86 step %scan3A_87 iter_args(%scan3A_154 = %broadcast_in_dim3A_81, %scan3A_155 = %broadcast_in_dim3A_83) -> (vector<16xf32>, vector<16xi32>)  : i32 {
        %mul3A_156 = arith.constant 16 : i32
        %mul3A_157 = arith.muli %scan3A_153, %mul3A_156 : i32
        %get3A = arith.index_cast %mul3A_157 : i32 to index
        %get3A_158 = tpu.vector_load %arg5[%get3A] {strides = array<i32>} : memref<3136xf32, #tpu.memory_space<vmem>>, vector<16xf32>,
        %ge3A_159 = arith.cmpf oge, %get3A_158, %scan3A_154 : vector<16xf32>
        %max3A_160 = arith.maximumf %scan3A_154, %get3A_158 : vector<16xf32>
        %broadcast_in_dim3A_161 = vector.broadcast %scan3A_153 : i32 to vector<16xi32>
        %select_n3A_162 = arith.select %ge3A_159, %broadcast_in_dim3A_161, %scan3A_155 : vector<16xi1>, vector<16xi32>
        scf.yield %max3A_160, %select_n3A_162 : vector<16xf32>, vector<16xi32>
      }
      %scan3A_89 = arith.constant 196 : i32
      %reduce_max3A_90 = arith.constant true
      %reduce_max3A_91 = vector.broadcast %reduce_max3A_90 : i1 to vector<16xi1>
      %reduce_max3A_92 = tpu.scan <max>, %scan3A_88#0 masked %reduce_max3A_91 : vector<16xf32>, vector<16xi1> -> vector<16xf32>
      %reduce_max3A_93 = vector.extract %reduce_max3A_92[15] : f32 from vector<16xf32>
      %mul3A_94 = arith.constant 16 : i32
      %mul3A_95 = vector.broadcast %mul3A_94 : i32 to vector<16xi32>
      %mul3A_96 = arith.muli %scan3A_88#1, %mul3A_95 : vector<16xi32>
      %add3A_97 = arith.addi %mul3A_96, %iota3A : vector<16xi32>
      %eq3A_98 = vector.broadcast %reduce_max3A_93 : f32 to vector<16xf32>
      %eq3A_99 = arith.cmpf oeq, %scan3A_88#0, %eq3A_98 : vector<16xf32>
      %jit3A_100 = arith.constant -1 : i32
      %broadcast_in_dim3A_101 = vector.broadcast %jit3A_100 : i32 to vector<16xi32>
      %select_n3A_102 = arith.select %eq3A_99, %add3A_97, %broadcast_in_dim3A_101 : vector<16xi1>, vector<16xi32>
      %reduce_max3A_103 = arith.constant true
      %reduce_max3A_104 = vector.broadcast %reduce_max3A_103 : i1 to vector<16xi1>
      %reduce_max3A_105 = arith.constant -2147483648 : i32
      %reduce_max3A_106 = vector.broadcast %reduce_max3A_105 : i32 to vector<16xi32>
      %reduce_max3A_107 = arith.xori %select_n3A_102, %reduce_max3A_106 : vector<16xi32>
      %reduce_max3A_108 = tpu.scan <max>, %reduce_max3A_107 masked %reduce_max3A_104 : vector<16xi32>, vector<16xi1> -> vector<16xi32>
      %reduce_max3A_109 = arith.xori %reduce_max3A_108, %reduce_max3A_106 : vector<16xi32>
      %reduce_max3A_110 = vector.extract %reduce_max3A_109[15] : i32 from vector<16xi32>
      %shift_right_arithmetic3A_111 = arith.constant 6 : i32
      %shift_right_arithmetic3A_112 = arith.shrsi %reduce_max3A_110, %shift_right_arithmetic3A_111 : i32
      %and3A_113 = arith.constant 63 : i32
      %and3A_114 = arith.andi %reduce_max3A_110, %and3A_113 : i32
      %mul3A_115 = arith.constant 49 : i32
      %mul3A_116 = arith.muli %shift_right_arithmetic3A_112, %mul3A_115 : i32
      %add3A_117 = arith.constant 0 : i32
      %add3A_118 = arith.addi %add3A_117, %mul3A_116 : i32
      %add3A_119 = arith.addi %add3A_118, %and3A_114 : i32
      %broadcast_in_dim3A_120 = arith.constant 0 : i32
      %broadcast_in_dim3A_121 = vector.broadcast %broadcast_in_dim3A_120 : i32 to vector<16xi32>
      %broadcast_in_dim3A_122 = arith.constant 0.000000e+00 : f32
      %broadcast_in_dim3A_123 = vector.broadcast %broadcast_in_dim3A_122 : f32 to vector<16xf32>
      %eq3A_124 = arith.constant 0 : i32
      %eq3A_125 = vector.broadcast %eq3A_124 : i32 to vector<16xi32>
      %eq3A_126 = arith.cmpi eq, %iota3A, %eq3A_125 : vector<16xi32>
      %broadcast_in_dim3A_127 = vector.broadcast %add3A_59 : i32 to vector<16xi32>
      %select_n3A_128 = arith.select %eq3A_126, %broadcast_in_dim3A_127, %broadcast_in_dim3A_121 : vector<16xi1>, vector<16xi32>
      %eq3A_129 = arith.constant 0 : i32
      %eq3A_130 = vector.broadcast %eq3A_129 : i32 to vector<16xi32>
      %eq3A_131 = arith.cmpi eq, %iota3A, %eq3A_130 : vector<16xi32>
      %broadcast_in_dim3A_132 = vector.broadcast %reduce_max3A_37 : f32 to vector<16xf32>
      %select_n3A_133 = arith.select %eq3A_131, %broadcast_in_dim3A_132, %broadcast_in_dim3A_123 : vector<16xi1>, vector<16xf32>
      %eq3A_134 = arith.constant 1 : i32
      %eq3A_135 = vector.broadcast %eq3A_134 : i32 to vector<16xi32>
      %eq3A_136 = arith.cmpi eq, %iota3A, %eq3A_135 : vector<16xi32>
      %broadcast_in_dim3A_137 = vector.broadcast %add3A_119 : i32 to vector<16xi32>
      %select_n3A_138 = arith.select %eq3A_136, %broadcast_in_dim3A_137, %select_n3A_128 : vector<16xi1>, vector<16xi32>
      %eq3A_139 = arith.constant 1 : i32
      %eq3A_140 = vector.broadcast %eq3A_139 : i32 to vector<16xi32>
      %eq3A_141 = arith.cmpi eq, %iota3A, %eq3A_140 : vector<16xi32>
      %broadcast_in_dim3A_142 = vector.broadcast %reduce_max3A_93 : f32 to vector<16xf32>
      %select_n3A_143 = arith.select %eq3A_141, %broadcast_in_dim3A_142, %select_n3A_133 : vector<16xi1>, vector<16xf32>
      %swap3A = arith.constant 0 : index
      %swap3A_144 = tpu.vector_load %arg6[%swap3A] {strides = array<i32>} : memref<16xi32, #tpu.memory_space<vmem>>, vector<16xi32>,
      tpu.vector_store %arg6[%swap3A], %select_n3A_138 {strides = array<i32>} : memref<16xi32, #tpu.memory_space<vmem>>, vector<16xi32>,
      %swap3A_145 = arith.constant 0 : index
      %swap3A_146 = tpu.vector_load %arg7[%swap3A_145] {strides = array<i32>} : memref<16xf32, #tpu.memory_space<vmem>>, vector<16xf32>,
      tpu.vector_store %arg7[%swap3A_145], %select_n3A_143 {strides = array<i32>} : memref<16xf32, #tpu.memory_space<vmem>>, vector<16xf32>,
      %mul3A_147 = arith.constant 3 : i32
      %mul3A_148 = arith.muli %sub3A_20, %mul3A_147 : i32
      %add3A_149 = arith.constant 0 : i32
      %add3A_150 = arith.addi %mul3A_148, %add3A_149 : i32
      %mul3A_151 = arith.constant 8 : i32
      %mul3A_152 = arith.muli %add3A_150, %mul3A_151 : i32
      "tpu.region"() ({
        %run_scoped3A = tpu.sem_alloc : memref<!tpu.dma_semaphore, #tpu.memory_space<semaphore_mem>>
        %dma_start3A = arith.constant 0 : i32
        %dma_start3A_153 = tpu.memref_slice %arg6[%dma_start3A] : memref<16xi32, #tpu.memory_space<vmem>> -> memref<8xi32, #tpu.memory_space<vmem>>
        %dma_start3A_154 = tpu.memref_slice %arg3[%mul3A_152] : memref<96xi32, #tpu.memory_space<hbm>> -> memref<8xi32, #tpu.memory_space<hbm>>
        %dma_start3A_155 = tpu.memref_slice %arg3[%mul3A_152] : memref<96xi32, #tpu.memory_space<hbm>> -> memref<8xi32, #tpu.memory_space<hbm>>
        %dma_start3A_156 = arith.constant 0 : i32
        %dma_start3A_157 = tpu.memref_slice %arg6[%dma_start3A_156] : memref<16xi32, #tpu.memory_space<vmem>> -> memref<8xi32, #tpu.memory_space<vmem>>
        tpu.enqueue_dma source(%dma_start3A_157 : memref<8xi32, #tpu.memory_space<vmem>>) target(%dma_start3A_155 : memref<8xi32, #tpu.memory_space<hbm>>) target_semaphore(%run_scoped3A : memref<!tpu.dma_semaphore, #tpu.memory_space<semaphore_mem>>)
        %dma_wait3A = arith.constant 0 : i32
        %dma_wait3A_158 = tpu.memref_slice %arg6[%dma_wait3A] : memref<16xi32, #tpu.memory_space<vmem>> -> memref<8xi32, #tpu.memory_space<vmem>>
        %dma_wait3A_159 = tpu.memref_slice %arg3[%mul3A_152] : memref<96xi32, #tpu.memory_space<hbm>> -> memref<8xi32, #tpu.memory_space<hbm>>
        %dma_wait3A_160 = tpu.memref_slice %arg3[%mul3A_152] : memref<96xi32, #tpu.memory_space<hbm>> -> memref<8xi32, #tpu.memory_space<hbm>>
        %dma_wait3A_161 = arith.constant 0 : i32
        %dma_wait3A_162 = tpu.memref_slice %arg6[%dma_wait3A_161] : memref<16xi32, #tpu.memory_space<vmem>> -> memref<8xi32, #tpu.memory_space<vmem>>
        tpu.wait_dma2 semaphore(%run_scoped3A : memref<!tpu.dma_semaphore, #tpu.memory_space<semaphore_mem>>) src(%dma_wait3A_162 : memref<8xi32, #tpu.memory_space<vmem>>) dst(%dma_wait3A_160 : memref<8xi32, #tpu.memory_space<hbm>>)
        tpu.yield
      }) : () -> ()
      "tpu.region"() ({
        %run_scoped3A = tpu.sem_alloc : memref<!tpu.dma_semaphore, #tpu.memory_space<semaphore_mem>>
        %dma_start3A = arith.constant 0 : i32
        %dma_start3A_153 = tpu.memref_slice %arg7[%dma_start3A] : memref<16xf32, #tpu.memory_space<vmem>> -> memref<8xf32, #tpu.memory_space<vmem>>
        %dma_start3A_154 = tpu.memref_slice %arg4[%mul3A_152] : memref<96xf32, #tpu.memory_space<hbm>> -> memref<8xf32, #tpu.memory_space<hbm>>
        %dma_start3A_155 = tpu.memref_slice %arg4[%mul3A_152] : memref<96xf32, #tpu.memory_space<hbm>> -> memref<8xf32, #tpu.memory_space<hbm>>
        %dma_start3A_156 = arith.constant 0 : i32
        %dma_start3A_157 = tpu.memref_slice %arg7[%dma_start3A_156] : memref<16xf32, #tpu.memory_space<vmem>> -> memref<8xf32, #tpu.memory_space<vmem>>
        tpu.enqueue_dma source(%dma_start3A_157 : memref<8xf32, #tpu.memory_space<vmem>>) target(%dma_start3A_155 : memref<8xf32, #tpu.memory_space<hbm>>) target_semaphore(%run_scoped3A : memref<!tpu.dma_semaphore, #tpu.memory_space<semaphore_mem>>)
        %dma_wait3A = arith.constant 0 : i32
        %dma_wait3A_158 = tpu.memref_slice %arg7[%dma_wait3A] : memref<16xf32, #tpu.memory_space<vmem>> -> memref<8xf32, #tpu.memory_space<vmem>>
        %dma_wait3A_159 = tpu.memref_slice %arg4[%mul3A_152] : memref<96xf32, #tpu.memory_space<hbm>> -> memref<8xf32, #tpu.memory_space<hbm>>
        %dma_wait3A_160 = tpu.memref_slice %arg4[%mul3A_152] : memref<96xf32, #tpu.memory_space<hbm>> -> memref<8xf32, #tpu.memory_space<hbm>>
        %dma_wait3A_161 = arith.constant 0 : i32
        %dma_wait3A_162 = tpu.memref_slice %arg7[%dma_wait3A_161] : memref<16xf32, #tpu.memory_space<vmem>> -> memref<8xf32, #tpu.memory_space<vmem>>
        tpu.wait_dma2 semaphore(%run_scoped3A : memref<!tpu.dma_semaphore, #tpu.memory_space<semaphore_mem>>) src(%dma_wait3A_162 : memref<8xf32, #tpu.memory_space<vmem>>) dst(%dma_wait3A_160 : memref<8xf32, #tpu.memory_space<hbm>>)
        tpu.yield
      }) : () -> ()
    } else {
    }
    %ge3A_4 = arith.constant 4 : i32
    %ge3A_5 = arith.cmpi sge, %add3A, %ge3A_4 : i32
    %lt3A_6 = arith.constant 8 : i32
    %lt3A_7 = arith.cmpi slt, %add3A, %lt3A_6 : i32
    %and3A_8 = arith.andi %ge3A_5, %lt3A_7 : i1
    %convert_element_type3A_9 = arith.extui %and3A_8 : i1 to i32
    %cond3A_10 = arith.constant 0 : i32
    %cond3A_11 = arith.cmpi ne, %convert_element_type3A_9, %cond3A_10 : i32
    scf.if %cond3A_11 {
      %sub3A = arith.constant 4 : i32
      %sub3A_20 = arith.subi %add3A, %sub3A : i32
      %mul3A_21 = arith.constant 135 : i32
      %mul3A_22 = arith.muli %sub3A_20, %mul3A_21 : i32
      %mul3A_23 = arith.constant 64 : i32
      %mul3A_24 = arith.muli %mul3A_22, %mul3A_23 : i32
      %add3A_25 = arith.constant 3136 : i32
      %add3A_26 = arith.addi %mul3A_24, %add3A_25 : i32
      "tpu.region"() ({
        %run_scoped3A = tpu.sem_alloc : memref<!tpu.dma_semaphore, #tpu.memory_space<semaphore_mem>>
        %dma_start3A = arith.constant 0 : i32
        %dma_start3A_226 = tpu.memref_slice %arg5[%dma_start3A] : memref<3136xf32, #tpu.memory_space<vmem>> -> memref<2880xf32, #tpu.memory_space<vmem>>
        %dma_start3A_227 = tpu.memref_slice %arg2[%add3A_26] : memref<34560xf32, #tpu.memory_space<hbm>> -> memref<2880xf32, #tpu.memory_space<hbm>>
        %dma_start3A_228 = arith.constant 0 : i32
        %dma_start3A_229 = tpu.memref_slice %arg5[%dma_start3A_228] : memref<3136xf32, #tpu.memory_space<vmem>> -> memref<2880xf32, #tpu.memory_space<vmem>>
        %dma_start3A_230 = tpu.memref_slice %arg2[%add3A_26] : memref<34560xf32, #tpu.memory_space<hbm>> -> memref<2880xf32, #tpu.memory_space<hbm>>
        tpu.enqueue_dma source(%dma_start3A_230 : memref<2880xf32, #tpu.memory_space<hbm>>) target(%dma_start3A_229 : memref<2880xf32, #tpu.memory_space<vmem>>) target_semaphore(%run_scoped3A : memref<!tpu.dma_semaphore, #tpu.memory_space<semaphore_mem>>)
        %dma_wait3A = arith.constant 0 : i32
        %dma_wait3A_231 = tpu.memref_slice %arg5[%dma_wait3A] : memref<3136xf32, #tpu.memory_space<vmem>> -> memref<2880xf32, #tpu.memory_space<vmem>>
        %dma_wait3A_232 = tpu.memref_slice %arg2[%add3A_26] : memref<34560xf32, #tpu.memory_space<hbm>> -> memref<2880xf32, #tpu.memory_space<hbm>>
        %dma_wait3A_233 = arith.constant 0 : i32
        %dma_wait3A_234 = tpu.memref_slice %arg5[%dma_wait3A_233] : memref<3136xf32, #tpu.memory_space<vmem>> -> memref<2880xf32, #tpu.memory_space<vmem>>
        %dma_wait3A_235 = tpu.memref_slice %arg2[%add3A_26] : memref<34560xf32, #tpu.memory_space<hbm>> -> memref<2880xf32, #tpu.memory_space<hbm>>
        tpu.wait_dma2 semaphore(%run_scoped3A : memref<!tpu.dma_semaphore, #tpu.memory_space<semaphore_mem>>) src(%dma_wait3A_235 : memref<2880xf32, #tpu.memory_space<hbm>>) dst(%dma_wait3A_234 : memref<2880xf32, #tpu.memory_space<vmem>>)
        tpu.yield
      }) : () -> ()
      %broadcast_in_dim3A = arith.constant 0xFF800000 : f32
      %broadcast_in_dim3A_27 = vector.broadcast %broadcast_in_dim3A : f32 to vector<16xf32>
      %broadcast_in_dim3A_28 = arith.constant 0 : i32
      %broadcast_in_dim3A_29 = vector.broadcast %broadcast_in_dim3A_28 : i32 to vector<16xi32>
      %scan3A = arith.constant 0 : i32
      %scan3A_30 = arith.constant 180 : i32
      %scan3A_31 = arith.addi %scan3A, %scan3A_30 : i32
      %scan3A_32 = arith.constant 1 : i32
      %scan3A_33:2 = scf.for %scan3A_226 = %scan3A to %scan3A_31 step %scan3A_32 iter_args(%scan3A_227 = %broadcast_in_dim3A_27, %scan3A_228 = %broadcast_in_dim3A_29) -> (vector<16xf32>, vector<16xi32>)  : i32 {
        %mul3A_229 = arith.constant 16 : i32
        %mul3A_230 = arith.muli %scan3A_226, %mul3A_229 : i32
        %get3A = arith.index_cast %mul3A_230 : i32 to index
        %get3A_231 = tpu.vector_load %arg5[%get3A] {strides = array<i32>} : memref<3136xf32, #tpu.memory_space<vmem>>, vector<16xf32>,
        %ge3A_232 = arith.cmpf oge, %get3A_231, %scan3A_227 : vector<16xf32>
        %max3A_233 = arith.maximumf %scan3A_227, %get3A_231 : vector<16xf32>
        %broadcast_in_dim3A_234 = vector.broadcast %scan3A_226 : i32 to vector<16xi32>
        %select_n3A_235 = arith.select %ge3A_232, %broadcast_in_dim3A_234, %scan3A_228 : vector<16xi1>, vector<16xi32>
        scf.yield %max3A_233, %select_n3A_235 : vector<16xf32>, vector<16xi32>
      }
      %scan3A_34 = arith.constant 180 : i32
      %reduce_max3A = arith.constant true
      %reduce_max3A_35 = vector.broadcast %reduce_max3A : i1 to vector<16xi1>
      %reduce_max3A_36 = tpu.scan <max>, %scan3A_33#0 masked %reduce_max3A_35 : vector<16xf32>, vector<16xi1> -> vector<16xf32>
      %reduce_max3A_37 = vector.extract %reduce_max3A_36[15] : f32 from vector<16xf32>
      %mul3A_38 = arith.constant 16 : i32
      %mul3A_39 = vector.broadcast %mul3A_38 : i32 to vector<16xi32>
      %mul3A_40 = arith.muli %scan3A_33#1, %mul3A_39 : vector<16xi32>
      %add3A_41 = arith.addi %mul3A_40, %iota3A : vector<16xi32>
      %eq3A = vector.broadcast %reduce_max3A_37 : f32 to vector<16xf32>
      %eq3A_42 = arith.cmpf oeq, %scan3A_33#0, %eq3A : vector<16xf32>
      %jit3A = arith.constant -1 : i32
      %broadcast_in_dim3A_43 = vector.broadcast %jit3A : i32 to vector<16xi32>
      %select_n3A = arith.select %eq3A_42, %add3A_41, %broadcast_in_dim3A_43 : vector<16xi1>, vector<16xi32>
      %reduce_max3A_44 = arith.constant true
      %reduce_max3A_45 = vector.broadcast %reduce_max3A_44 : i1 to vector<16xi1>
      %reduce_max3A_46 = arith.constant -2147483648 : i32
      %reduce_max3A_47 = vector.broadcast %reduce_max3A_46 : i32 to vector<16xi32>
      %reduce_max3A_48 = arith.xori %select_n3A, %reduce_max3A_47 : vector<16xi32>
      %reduce_max3A_49 = tpu.scan <max>, %reduce_max3A_48 masked %reduce_max3A_45 : vector<16xi32>, vector<16xi1> -> vector<16xi32>
      %reduce_max3A_50 = arith.xori %reduce_max3A_49, %reduce_max3A_47 : vector<16xi32>
      %reduce_max3A_51 = vector.extract %reduce_max3A_50[15] : i32 from vector<16xi32>
      %shift_right_arithmetic3A = arith.constant 6 : i32
      %shift_right_arithmetic3A_52 = arith.shrsi %reduce_max3A_51, %shift_right_arithmetic3A : i32
      %and3A_53 = arith.constant 63 : i32
      %and3A_54 = arith.andi %reduce_max3A_51, %and3A_53 : i32
      %mul3A_55 = arith.constant 45 : i32
      %mul3A_56 = arith.muli %shift_right_arithmetic3A_52, %mul3A_55 : i32
      %add3A_57 = arith.constant 2401 : i32
      %add3A_58 = arith.addi %add3A_57, %mul3A_56 : i32
      %add3A_59 = arith.addi %add3A_58, %and3A_54 : i32
      %sub3A_60 = arith.constant 11 : i32
      %sub3A_61 = arith.subi %shift_right_arithmetic3A_52, %sub3A_60 : i32
      %max3A = arith.constant 0 : i32
      %max3A_62 = arith.maxsi %sub3A_61, %max3A : i32
      %mul3A_63 = arith.constant 4 : i32
      %mul3A_64 = arith.muli %max3A_62, %mul3A_63 : i32
      %add3A_65 = arith.constant 12 : i32
      %add3A_66 = arith.addi %shift_right_arithmetic3A_52, %add3A_65 : i32
      %min3A = arith.constant 45 : i32
      %min3A_67 = arith.minsi %add3A_66, %min3A : i32
      %mul3A_68 = arith.constant 4 : i32
      %mul3A_69 = arith.muli %min3A_67, %mul3A_68 : i32
      %while3A = arith.constant 0 : i32
      %while3A_70 = arith.subi %mul3A_69, %mul3A_64 : i32
      %while3A_71 = arith.addi %mul3A_64, %while3A_70 : i32
      %while3A_72 = arith.constant 1 : i32
      %while3A_73 = arith.divsi %while3A_70, %while3A_72 : i32
      %while3A_74 = arith.muli %while3A_73, %while3A_72 : i32
      %while3A_75 = arith.addi %mul3A_64, %while3A_74 : i32
      %while3A_76 = arith.constant 1 : i32
      %while3A_77 = scf.for %while3A_226 = %mul3A_64 to %while3A_75 step %while3A_76 iter_args(%while3A_227 = %while3A) -> (i32)  : i32 {
        %shift_right_arithmetic3A_228 = arith.constant 2 : i32
        %shift_right_arithmetic3A_229 = arith.shrsi %while3A_226, %shift_right_arithmetic3A_228 : i32
        %and3A_230 = arith.constant 3 : i32
        %and3A_231 = arith.andi %while3A_226, %and3A_230 : i32
        %mul3A_232 = arith.constant 16 : i32
        %mul3A_233 = arith.muli %and3A_231, %mul3A_232 : i32
        %add3A_234 = vector.broadcast %mul3A_233 : i32 to vector<16xi32>
        %add3A_235 = arith.addi %add3A_234, %iota3A : vector<16xi32>
        %sub3A_236 = arith.subi %shift_right_arithmetic3A_229, %shift_right_arithmetic3A_52 : i32
        %abs3A = math.absi %sub3A_236 : i32
        %sub3A_237 = arith.constant 12 : i32
        %sub3A_238 = arith.subi %sub3A_237, %abs3A : i32
        %max3A_239 = arith.constant 0 : i32
        %max3A_240 = arith.maxsi %sub3A_238, %max3A_239 : i32
        %sub3A_241 = vector.broadcast %and3A_54 : i32 to vector<16xi32>
        %sub3A_242 = arith.subi %add3A_235, %sub3A_241 : vector<16xi32>
        %abs3A_243 = math.absi %sub3A_242 : vector<16xi32>
        %sub3A_244 = arith.constant 12 : i32
        %sub3A_245 = vector.broadcast %sub3A_244 : i32 to vector<16xi32>
        %sub3A_246 = arith.subi %sub3A_245, %abs3A_243 : vector<16xi32>
        %max3A_247 = arith.constant 0 : i32
        %max3A_248 = vector.broadcast %max3A_247 : i32 to vector<16xi32>
        %max3A_249 = arith.maxsi %sub3A_246, %max3A_248 : vector<16xi32>
        %mul3A_250 = arith.constant 5 : i32
        %mul3A_251 = arith.muli %mul3A_250, %max3A_240 : i32
        %mul3A_252 = vector.broadcast %mul3A_251 : i32 to vector<16xi32>
        %mul3A_253 = arith.muli %mul3A_252, %max3A_249 : vector<16xi32>
        %gt3A = arith.constant 288 : i32
        %gt3A_254 = vector.broadcast %gt3A : i32 to vector<16xi32>
        %gt3A_255 = arith.cmpi sgt, %mul3A_253, %gt3A_254 : vector<16xi32>
        %eq3A_256 = arith.cmpi eq, %shift_right_arithmetic3A_229, %shift_right_arithmetic3A_52 : i32
        %eq3A_257 = vector.broadcast %and3A_54 : i32 to vector<16xi32>
        %eq3A_258 = arith.cmpi eq, %add3A_235, %eq3A_257 : vector<16xi32>
        %and3A_259 = vector.broadcast %eq3A_256 : i1 to vector<16xi1>
        %and3A_260 = arith.andi %and3A_259, %eq3A_258 : vector<16xi1>
        %or3A = arith.ori %gt3A_255, %and3A_260 : vector<16xi1>
        %mul3A_261 = arith.constant 16 : i32
        %mul3A_262 = arith.muli %while3A_226, %mul3A_261 : i32
        %get3A = arith.index_cast %mul3A_262 : i32 to index
        %get3A_263 = tpu.vector_load %arg5[%get3A] {strides = array<i32>} : memref<3136xf32, #tpu.memory_space<vmem>>, vector<16xf32>,
        %jit3A_264 = arith.constant 0xFF800000 : f32
        %broadcast_in_dim3A_265 = vector.broadcast %jit3A_264 : f32 to vector<16xf32>
        %select_n3A_266 = arith.select %or3A, %broadcast_in_dim3A_265, %get3A_263 : vector<16xi1>, vector<16xf32>
        %mul3A_267 = arith.constant 16 : i32
        %mul3A_268 = arith.muli %while3A_226, %mul3A_267 : i32
        %swap3A_269 = arith.index_cast %mul3A_268 : i32 to index
        %swap3A_270 = tpu.vector_load %arg5[%swap3A_269] {strides = array<i32>} : memref<3136xf32, #tpu.memory_space<vmem>>, vector<16xf32>,
        tpu.vector_store %arg5[%swap3A_269], %select_n3A_266 {strides = array<i32>} : memref<3136xf32, #tpu.memory_space<vmem>>, vector<16xf32>,
        %while3A_271 = arith.constant 0 : i32
        scf.yield %while3A_271 : i32
      }
      %while3A_78 = arith.constant 1 : i32
      %while3A_79 = scf.for %while3A_226 = %while3A_75 to %while3A_71 step %while3A_78 iter_args(%while3A_227 = %while3A_77) -> (i32)  : i32 {
        %shift_right_arithmetic3A_228 = arith.constant 2 : i32
        %shift_right_arithmetic3A_229 = arith.shrsi %while3A_226, %shift_right_arithmetic3A_228 : i32
        %and3A_230 = arith.constant 3 : i32
        %and3A_231 = arith.andi %while3A_226, %and3A_230 : i32
        %mul3A_232 = arith.constant 16 : i32
        %mul3A_233 = arith.muli %and3A_231, %mul3A_232 : i32
        %add3A_234 = vector.broadcast %mul3A_233 : i32 to vector<16xi32>
        %add3A_235 = arith.addi %add3A_234, %iota3A : vector<16xi32>
        %sub3A_236 = arith.subi %shift_right_arithmetic3A_229, %shift_right_arithmetic3A_52 : i32
        %abs3A = math.absi %sub3A_236 : i32
        %sub3A_237 = arith.constant 12 : i32
        %sub3A_238 = arith.subi %sub3A_237, %abs3A : i32
        %max3A_239 = arith.constant 0 : i32
        %max3A_240 = arith.maxsi %sub3A_238, %max3A_239 : i32
        %sub3A_241 = vector.broadcast %and3A_54 : i32 to vector<16xi32>
        %sub3A_242 = arith.subi %add3A_235, %sub3A_241 : vector<16xi32>
        %abs3A_243 = math.absi %sub3A_242 : vector<16xi32>
        %sub3A_244 = arith.constant 12 : i32
        %sub3A_245 = vector.broadcast %sub3A_244 : i32 to vector<16xi32>
        %sub3A_246 = arith.subi %sub3A_245, %abs3A_243 : vector<16xi32>
        %max3A_247 = arith.constant 0 : i32
        %max3A_248 = vector.broadcast %max3A_247 : i32 to vector<16xi32>
        %max3A_249 = arith.maxsi %sub3A_246, %max3A_248 : vector<16xi32>
        %mul3A_250 = arith.constant 5 : i32
        %mul3A_251 = arith.muli %mul3A_250, %max3A_240 : i32
        %mul3A_252 = vector.broadcast %mul3A_251 : i32 to vector<16xi32>
        %mul3A_253 = arith.muli %mul3A_252, %max3A_249 : vector<16xi32>
        %gt3A = arith.constant 288 : i32
        %gt3A_254 = vector.broadcast %gt3A : i32 to vector<16xi32>
        %gt3A_255 = arith.cmpi sgt, %mul3A_253, %gt3A_254 : vector<16xi32>
        %eq3A_256 = arith.cmpi eq, %shift_right_arithmetic3A_229, %shift_right_arithmetic3A_52 : i32
        %eq3A_257 = vector.broadcast %and3A_54 : i32 to vector<16xi32>
        %eq3A_258 = arith.cmpi eq, %add3A_235, %eq3A_257 : vector<16xi32>
        %and3A_259 = vector.broadcast %eq3A_256 : i1 to vector<16xi1>
        %and3A_260 = arith.andi %and3A_259, %eq3A_258 : vector<16xi1>
        %or3A = arith.ori %gt3A_255, %and3A_260 : vector<16xi1>
        %mul3A_261 = arith.constant 16 : i32
        %mul3A_262 = arith.muli %while3A_226, %mul3A_261 : i32
        %get3A = arith.index_cast %mul3A_262 : i32 to index
        %get3A_263 = tpu.vector_load %arg5[%get3A] {strides = array<i32>} : memref<3136xf32, #tpu.memory_space<vmem>>, vector<16xf32>,
        %jit3A_264 = arith.constant 0xFF800000 : f32
        %broadcast_in_dim3A_265 = vector.broadcast %jit3A_264 : f32 to vector<16xf32>
        %select_n3A_266 = arith.select %or3A, %broadcast_in_dim3A_265, %get3A_263 : vector<16xi1>, vector<16xf32>
        %mul3A_267 = arith.constant 16 : i32
        %mul3A_268 = arith.muli %while3A_226, %mul3A_267 : i32
        %swap3A_269 = arith.index_cast %mul3A_268 : i32 to index
        %swap3A_270 = tpu.vector_load %arg5[%swap3A_269] {strides = array<i32>} : memref<3136xf32, #tpu.memory_space<vmem>>, vector<16xf32>,
        tpu.vector_store %arg5[%swap3A_269], %select_n3A_266 {strides = array<i32>} : memref<3136xf32, #tpu.memory_space<vmem>>, vector<16xf32>,
        %while3A_271 = arith.constant 0 : i32
        scf.yield %while3A_271 : i32
      }
      %broadcast_in_dim3A_80 = arith.constant 0xFF800000 : f32
      %broadcast_in_dim3A_81 = vector.broadcast %broadcast_in_dim3A_80 : f32 to vector<16xf32>
      %broadcast_in_dim3A_82 = arith.constant 0 : i32
      %broadcast_in_dim3A_83 = vector.broadcast %broadcast_in_dim3A_82 : i32 to vector<16xi32>
      %scan3A_84 = arith.constant 0 : i32
      %scan3A_85 = arith.constant 180 : i32
      %scan3A_86 = arith.addi %scan3A_84, %scan3A_85 : i32
      %scan3A_87 = arith.constant 1 : i32
      %scan3A_88:2 = scf.for %scan3A_226 = %scan3A_84 to %scan3A_86 step %scan3A_87 iter_args(%scan3A_227 = %broadcast_in_dim3A_81, %scan3A_228 = %broadcast_in_dim3A_83) -> (vector<16xf32>, vector<16xi32>)  : i32 {
        %mul3A_229 = arith.constant 16 : i32
        %mul3A_230 = arith.muli %scan3A_226, %mul3A_229 : i32
        %get3A = arith.index_cast %mul3A_230 : i32 to index
        %get3A_231 = tpu.vector_load %arg5[%get3A] {strides = array<i32>} : memref<3136xf32, #tpu.memory_space<vmem>>, vector<16xf32>,
        %ge3A_232 = arith.cmpf oge, %get3A_231, %scan3A_227 : vector<16xf32>
        %max3A_233 = arith.maximumf %scan3A_227, %get3A_231 : vector<16xf32>
        %broadcast_in_dim3A_234 = vector.broadcast %scan3A_226 : i32 to vector<16xi32>
        %select_n3A_235 = arith.select %ge3A_232, %broadcast_in_dim3A_234, %scan3A_228 : vector<16xi1>, vector<16xi32>
        scf.yield %max3A_233, %select_n3A_235 : vector<16xf32>, vector<16xi32>
      }
      %scan3A_89 = arith.constant 180 : i32
      %reduce_max3A_90 = arith.constant true
      %reduce_max3A_91 = vector.broadcast %reduce_max3A_90 : i1 to vector<16xi1>
      %reduce_max3A_92 = tpu.scan <max>, %scan3A_88#0 masked %reduce_max3A_91 : vector<16xf32>, vector<16xi1> -> vector<16xf32>
      %reduce_max3A_93 = vector.extract %reduce_max3A_92[15] : f32 from vector<16xf32>
      %mul3A_94 = arith.constant 16 : i32
      %mul3A_95 = vector.broadcast %mul3A_94 : i32 to vector<16xi32>
      %mul3A_96 = arith.muli %scan3A_88#1, %mul3A_95 : vector<16xi32>
      %add3A_97 = arith.addi %mul3A_96, %iota3A : vector<16xi32>
      %eq3A_98 = vector.broadcast %reduce_max3A_93 : f32 to vector<16xf32>
      %eq3A_99 = arith.cmpf oeq, %scan3A_88#0, %eq3A_98 : vector<16xf32>
      %jit3A_100 = arith.constant -1 : i32
      %broadcast_in_dim3A_101 = vector.broadcast %jit3A_100 : i32 to vector<16xi32>
      %select_n3A_102 = arith.select %eq3A_99, %add3A_97, %broadcast_in_dim3A_101 : vector<16xi1>, vector<16xi32>
      %reduce_max3A_103 = arith.constant true
      %reduce_max3A_104 = vector.broadcast %reduce_max3A_103 : i1 to vector<16xi1>
      %reduce_max3A_105 = arith.constant -2147483648 : i32
      %reduce_max3A_106 = vector.broadcast %reduce_max3A_105 : i32 to vector<16xi32>
      %reduce_max3A_107 = arith.xori %select_n3A_102, %reduce_max3A_106 : vector<16xi32>
      %reduce_max3A_108 = tpu.scan <max>, %reduce_max3A_107 masked %reduce_max3A_104 : vector<16xi32>, vector<16xi1> -> vector<16xi32>
      %reduce_max3A_109 = arith.xori %reduce_max3A_108, %reduce_max3A_106 : vector<16xi32>
      %reduce_max3A_110 = vector.extract %reduce_max3A_109[15] : i32 from vector<16xi32>
      %shift_right_arithmetic3A_111 = arith.constant 6 : i32
      %shift_right_arithmetic3A_112 = arith.shrsi %reduce_max3A_110, %shift_right_arithmetic3A_111 : i32
      %and3A_113 = arith.constant 63 : i32
      %and3A_114 = arith.andi %reduce_max3A_110, %and3A_113 : i32
      %mul3A_115 = arith.constant 45 : i32
      %mul3A_116 = arith.muli %shift_right_arithmetic3A_112, %mul3A_115 : i32
      %add3A_117 = arith.constant 2401 : i32
      %add3A_118 = arith.addi %add3A_117, %mul3A_116 : i32
      %add3A_119 = arith.addi %add3A_118, %and3A_114 : i32
      %sub3A_120 = arith.constant 11 : i32
      %sub3A_121 = arith.subi %shift_right_arithmetic3A_112, %sub3A_120 : i32
      %max3A_122 = arith.constant 0 : i32
      %max3A_123 = arith.maxsi %sub3A_121, %max3A_122 : i32
      %mul3A_124 = arith.constant 4 : i32
      %mul3A_125 = arith.muli %max3A_123, %mul3A_124 : i32
      %add3A_126 = arith.constant 12 : i32
      %add3A_127 = arith.addi %shift_right_arithmetic3A_112, %add3A_126 : i32
      %min3A_128 = arith.constant 45 : i32
      %min3A_129 = arith.minsi %add3A_127, %min3A_128 : i32
      %mul3A_130 = arith.constant 4 : i32
      %mul3A_131 = arith.muli %min3A_129, %mul3A_130 : i32
      %while3A_132 = arith.constant 0 : i32
      %while3A_133 = arith.subi %mul3A_131, %mul3A_125 : i32
      %while3A_134 = arith.addi %mul3A_125, %while3A_133 : i32
      %while3A_135 = arith.constant 1 : i32
      %while3A_136 = arith.divsi %while3A_133, %while3A_135 : i32
      %while3A_137 = arith.muli %while3A_136, %while3A_135 : i32
      %while3A_138 = arith.addi %mul3A_125, %while3A_137 : i32
      %while3A_139 = arith.constant 1 : i32
      %while3A_140 = scf.for %while3A_226 = %mul3A_125 to %while3A_138 step %while3A_139 iter_args(%while3A_227 = %while3A_132) -> (i32)  : i32 {
        %shift_right_arithmetic3A_228 = arith.constant 2 : i32
        %shift_right_arithmetic3A_229 = arith.shrsi %while3A_226, %shift_right_arithmetic3A_228 : i32
        %and3A_230 = arith.constant 3 : i32
        %and3A_231 = arith.andi %while3A_226, %and3A_230 : i32
        %mul3A_232 = arith.constant 16 : i32
        %mul3A_233 = arith.muli %and3A_231, %mul3A_232 : i32
        %add3A_234 = vector.broadcast %mul3A_233 : i32 to vector<16xi32>
        %add3A_235 = arith.addi %add3A_234, %iota3A : vector<16xi32>
        %sub3A_236 = arith.subi %shift_right_arithmetic3A_229, %shift_right_arithmetic3A_112 : i32
        %abs3A = math.absi %sub3A_236 : i32
        %sub3A_237 = arith.constant 12 : i32
        %sub3A_238 = arith.subi %sub3A_237, %abs3A : i32
        %max3A_239 = arith.constant 0 : i32
        %max3A_240 = arith.maxsi %sub3A_238, %max3A_239 : i32
        %sub3A_241 = vector.broadcast %and3A_114 : i32 to vector<16xi32>
        %sub3A_242 = arith.subi %add3A_235, %sub3A_241 : vector<16xi32>
        %abs3A_243 = math.absi %sub3A_242 : vector<16xi32>
        %sub3A_244 = arith.constant 12 : i32
        %sub3A_245 = vector.broadcast %sub3A_244 : i32 to vector<16xi32>
        %sub3A_246 = arith.subi %sub3A_245, %abs3A_243 : vector<16xi32>
        %max3A_247 = arith.constant 0 : i32
        %max3A_248 = vector.broadcast %max3A_247 : i32 to vector<16xi32>
        %max3A_249 = arith.maxsi %sub3A_246, %max3A_248 : vector<16xi32>
        %mul3A_250 = arith.constant 5 : i32
        %mul3A_251 = arith.muli %mul3A_250, %max3A_240 : i32
        %mul3A_252 = vector.broadcast %mul3A_251 : i32 to vector<16xi32>
        %mul3A_253 = arith.muli %mul3A_252, %max3A_249 : vector<16xi32>
        %gt3A = arith.constant 288 : i32
        %gt3A_254 = vector.broadcast %gt3A : i32 to vector<16xi32>
        %gt3A_255 = arith.cmpi sgt, %mul3A_253, %gt3A_254 : vector<16xi32>
        %eq3A_256 = arith.cmpi eq, %shift_right_arithmetic3A_229, %shift_right_arithmetic3A_112 : i32
        %eq3A_257 = vector.broadcast %and3A_114 : i32 to vector<16xi32>
        %eq3A_258 = arith.cmpi eq, %add3A_235, %eq3A_257 : vector<16xi32>
        %and3A_259 = vector.broadcast %eq3A_256 : i1 to vector<16xi1>
        %and3A_260 = arith.andi %and3A_259, %eq3A_258 : vector<16xi1>
        %or3A = arith.ori %gt3A_255, %and3A_260 : vector<16xi1>
        %mul3A_261 = arith.constant 16 : i32
        %mul3A_262 = arith.muli %while3A_226, %mul3A_261 : i32
        %get3A = arith.index_cast %mul3A_262 : i32 to index
        %get3A_263 = tpu.vector_load %arg5[%get3A] {strides = array<i32>} : memref<3136xf32, #tpu.memory_space<vmem>>, vector<16xf32>,
        %jit3A_264 = arith.constant 0xFF800000 : f32
        %broadcast_in_dim3A_265 = vector.broadcast %jit3A_264 : f32 to vector<16xf32>
        %select_n3A_266 = arith.select %or3A, %broadcast_in_dim3A_265, %get3A_263 : vector<16xi1>, vector<16xf32>
        %mul3A_267 = arith.constant 16 : i32
        %mul3A_268 = arith.muli %while3A_226, %mul3A_267 : i32
        %swap3A_269 = arith.index_cast %mul3A_268 : i32 to index
        %swap3A_270 = tpu.vector_load %arg5[%swap3A_269] {strides = array<i32>} : memref<3136xf32, #tpu.memory_space<vmem>>, vector<16xf32>,
        tpu.vector_store %arg5[%swap3A_269], %select_n3A_266 {strides = array<i32>} : memref<3136xf32, #tpu.memory_space<vmem>>, vector<16xf32>,
        %while3A_271 = arith.constant 0 : i32
        scf.yield %while3A_271 : i32
      }
      %while3A_141 = arith.constant 1 : i32
      %while3A_142 = scf.for %while3A_226 = %while3A_138 to %while3A_134 step %while3A_141 iter_args(%while3A_227 = %while3A_140) -> (i32)  : i32 {
        %shift_right_arithmetic3A_228 = arith.constant 2 : i32
        %shift_right_arithmetic3A_229 = arith.shrsi %while3A_226, %shift_right_arithmetic3A_228 : i32
        %and3A_230 = arith.constant 3 : i32
        %and3A_231 = arith.andi %while3A_226, %and3A_230 : i32
        %mul3A_232 = arith.constant 16 : i32
        %mul3A_233 = arith.muli %and3A_231, %mul3A_232 : i32
        %add3A_234 = vector.broadcast %mul3A_233 : i32 to vector<16xi32>
        %add3A_235 = arith.addi %add3A_234, %iota3A : vector<16xi32>
        %sub3A_236 = arith.subi %shift_right_arithmetic3A_229, %shift_right_arithmetic3A_112 : i32
        %abs3A = math.absi %sub3A_236 : i32
        %sub3A_237 = arith.constant 12 : i32
        %sub3A_238 = arith.subi %sub3A_237, %abs3A : i32
        %max3A_239 = arith.constant 0 : i32
        %max3A_240 = arith.maxsi %sub3A_238, %max3A_239 : i32
        %sub3A_241 = vector.broadcast %and3A_114 : i32 to vector<16xi32>
        %sub3A_242 = arith.subi %add3A_235, %sub3A_241 : vector<16xi32>
        %abs3A_243 = math.absi %sub3A_242 : vector<16xi32>
        %sub3A_244 = arith.constant 12 : i32
        %sub3A_245 = vector.broadcast %sub3A_244 : i32 to vector<16xi32>
        %sub3A_246 = arith.subi %sub3A_245, %abs3A_243 : vector<16xi32>
        %max3A_247 = arith.constant 0 : i32
        %max3A_248 = vector.broadcast %max3A_247 : i32 to vector<16xi32>
        %max3A_249 = arith.maxsi %sub3A_246, %max3A_248 : vector<16xi32>
        %mul3A_250 = arith.constant 5 : i32
        %mul3A_251 = arith.muli %mul3A_250, %max3A_240 : i32
        %mul3A_252 = vector.broadcast %mul3A_251 : i32 to vector<16xi32>
        %mul3A_253 = arith.muli %mul3A_252, %max3A_249 : vector<16xi32>
        %gt3A = arith.constant 288 : i32
        %gt3A_254 = vector.broadcast %gt3A : i32 to vector<16xi32>
        %gt3A_255 = arith.cmpi sgt, %mul3A_253, %gt3A_254 : vector<16xi32>
        %eq3A_256 = arith.cmpi eq, %shift_right_arithmetic3A_229, %shift_right_arithmetic3A_112 : i32
        %eq3A_257 = vector.broadcast %and3A_114 : i32 to vector<16xi32>
        %eq3A_258 = arith.cmpi eq, %add3A_235, %eq3A_257 : vector<16xi32>
        %and3A_259 = vector.broadcast %eq3A_256 : i1 to vector<16xi1>
        %and3A_260 = arith.andi %and3A_259, %eq3A_258 : vector<16xi1>
        %or3A = arith.ori %gt3A_255, %and3A_260 : vector<16xi1>
        %mul3A_261 = arith.constant 16 : i32
        %mul3A_262 = arith.muli %while3A_226, %mul3A_261 : i32
        %get3A = arith.index_cast %mul3A_262 : i32 to index
        %get3A_263 = tpu.vector_load %arg5[%get3A] {strides = array<i32>} : memref<3136xf32, #tpu.memory_space<vmem>>, vector<16xf32>,
        %jit3A_264 = arith.constant 0xFF800000 : f32
        %broadcast_in_dim3A_265 = vector.broadcast %jit3A_264 : f32 to vector<16xf32>
        %select_n3A_266 = arith.select %or3A, %broadcast_in_dim3A_265, %get3A_263 : vector<16xi1>, vector<16xf32>
        %mul3A_267 = arith.constant 16 : i32
        %mul3A_268 = arith.muli %while3A_226, %mul3A_267 : i32
        %swap3A_269 = arith.index_cast %mul3A_268 : i32 to index
        %swap3A_270 = tpu.vector_load %arg5[%swap3A_269] {strides = array<i32>} : memref<3136xf32, #tpu.memory_space<vmem>>, vector<16xf32>,
        tpu.vector_store %arg5[%swap3A_269], %select_n3A_266 {strides = array<i32>} : memref<3136xf32, #tpu.memory_space<vmem>>, vector<16xf32>,
        %while3A_271 = arith.constant 0 : i32
        scf.yield %while3A_271 : i32
      }
      %broadcast_in_dim3A_143 = arith.constant 0xFF800000 : f32
      %broadcast_in_dim3A_144 = vector.broadcast %broadcast_in_dim3A_143 : f32 to vector<16xf32>
      %broadcast_in_dim3A_145 = arith.constant 0 : i32
      %broadcast_in_dim3A_146 = vector.broadcast %broadcast_in_dim3A_145 : i32 to vector<16xi32>
      %scan3A_147 = arith.constant 0 : i32
      %scan3A_148 = arith.constant 180 : i32
      %scan3A_149 = arith.addi %scan3A_147, %scan3A_148 : i32
      %scan3A_150 = arith.constant 1 : i32
      %scan3A_151:2 = scf.for %scan3A_226 = %scan3A_147 to %scan3A_149 step %scan3A_150 iter_args(%scan3A_227 = %broadcast_in_dim3A_144, %scan3A_228 = %broadcast_in_dim3A_146) -> (vector<16xf32>, vector<16xi32>)  : i32 {
        %mul3A_229 = arith.constant 16 : i32
        %mul3A_230 = arith.muli %scan3A_226, %mul3A_229 : i32
        %get3A = arith.index_cast %mul3A_230 : i32 to index
        %get3A_231 = tpu.vector_load %arg5[%get3A] {strides = array<i32>} : memref<3136xf32, #tpu.memory_space<vmem>>, vector<16xf32>,
        %ge3A_232 = arith.cmpf oge, %get3A_231, %scan3A_227 : vector<16xf32>
        %max3A_233 = arith.maximumf %scan3A_227, %get3A_231 : vector<16xf32>
        %broadcast_in_dim3A_234 = vector.broadcast %scan3A_226 : i32 to vector<16xi32>
        %select_n3A_235 = arith.select %ge3A_232, %broadcast_in_dim3A_234, %scan3A_228 : vector<16xi1>, vector<16xi32>
        scf.yield %max3A_233, %select_n3A_235 : vector<16xf32>, vector<16xi32>
      }
      %scan3A_152 = arith.constant 180 : i32
      %reduce_max3A_153 = arith.constant true
      %reduce_max3A_154 = vector.broadcast %reduce_max3A_153 : i1 to vector<16xi1>
      %reduce_max3A_155 = tpu.scan <max>, %scan3A_151#0 masked %reduce_max3A_154 : vector<16xf32>, vector<16xi1> -> vector<16xf32>
      %reduce_max3A_156 = vector.extract %reduce_max3A_155[15] : f32 from vector<16xf32>
      %mul3A_157 = arith.constant 16 : i32
      %mul3A_158 = vector.broadcast %mul3A_157 : i32 to vector<16xi32>
      %mul3A_159 = arith.muli %scan3A_151#1, %mul3A_158 : vector<16xi32>
      %add3A_160 = arith.addi %mul3A_159, %iota3A : vector<16xi32>
      %eq3A_161 = vector.broadcast %reduce_max3A_156 : f32 to vector<16xf32>
      %eq3A_162 = arith.cmpf oeq, %scan3A_151#0, %eq3A_161 : vector<16xf32>
      %jit3A_163 = arith.constant -1 : i32
      %broadcast_in_dim3A_164 = vector.broadcast %jit3A_163 : i32 to vector<16xi32>
      %select_n3A_165 = arith.select %eq3A_162, %add3A_160, %broadcast_in_dim3A_164 : vector<16xi1>, vector<16xi32>
      %reduce_max3A_166 = arith.constant true
      %reduce_max3A_167 = vector.broadcast %reduce_max3A_166 : i1 to vector<16xi1>
      %reduce_max3A_168 = arith.constant -2147483648 : i32
      %reduce_max3A_169 = vector.broadcast %reduce_max3A_168 : i32 to vector<16xi32>
      %reduce_max3A_170 = arith.xori %select_n3A_165, %reduce_max3A_169 : vector<16xi32>
      %reduce_max3A_171 = tpu.scan <max>, %reduce_max3A_170 masked %reduce_max3A_167 : vector<16xi32>, vector<16xi1> -> vector<16xi32>
      %reduce_max3A_172 = arith.xori %reduce_max3A_171, %reduce_max3A_169 : vector<16xi32>
      %reduce_max3A_173 = vector.extract %reduce_max3A_172[15] : i32 from vector<16xi32>
      %shift_right_arithmetic3A_174 = arith.constant 6 : i32
      %shift_right_arithmetic3A_175 = arith.shrsi %reduce_max3A_173, %shift_right_arithmetic3A_174 : i32
      %and3A_176 = arith.constant 63 : i32
      %and3A_177 = arith.andi %reduce_max3A_173, %and3A_176 : i32
      %mul3A_178 = arith.constant 45 : i32
      %mul3A_179 = arith.muli %shift_right_arithmetic3A_175, %mul3A_178 : i32
      %add3A_180 = arith.constant 2401 : i32
      %add3A_181 = arith.addi %add3A_180, %mul3A_179 : i32
      %add3A_182 = arith.addi %add3A_181, %and3A_177 : i32
      %broadcast_in_dim3A_183 = arith.constant 0 : i32
      %broadcast_in_dim3A_184 = vector.broadcast %broadcast_in_dim3A_183 : i32 to vector<16xi32>
      %broadcast_in_dim3A_185 = arith.constant 0.000000e+00 : f32
      %broadcast_in_dim3A_186 = vector.broadcast %broadcast_in_dim3A_185 : f32 to vector<16xf32>
      %eq3A_187 = arith.constant 0 : i32
      %eq3A_188 = vector.broadcast %eq3A_187 : i32 to vector<16xi32>
      %eq3A_189 = arith.cmpi eq, %iota3A, %eq3A_188 : vector<16xi32>
      %broadcast_in_dim3A_190 = vector.broadcast %add3A_59 : i32 to vector<16xi32>
      %select_n3A_191 = arith.select %eq3A_189, %broadcast_in_dim3A_190, %broadcast_in_dim3A_184 : vector<16xi1>, vector<16xi32>
      %eq3A_192 = arith.constant 0 : i32
      %eq3A_193 = vector.broadcast %eq3A_192 : i32 to vector<16xi32>
      %eq3A_194 = arith.cmpi eq, %iota3A, %eq3A_193 : vector<16xi32>
      %broadcast_in_dim3A_195 = vector.broadcast %reduce_max3A_37 : f32 to vector<16xf32>
      %select_n3A_196 = arith.select %eq3A_194, %broadcast_in_dim3A_195, %broadcast_in_dim3A_186 : vector<16xi1>, vector<16xf32>
      %eq3A_197 = arith.constant 1 : i32
      %eq3A_198 = vector.broadcast %eq3A_197 : i32 to vector<16xi32>
      %eq3A_199 = arith.cmpi eq, %iota3A, %eq3A_198 : vector<16xi32>
      %broadcast_in_dim3A_200 = vector.broadcast %add3A_119 : i32 to vector<16xi32>
      %select_n3A_201 = arith.select %eq3A_199, %broadcast_in_dim3A_200, %select_n3A_191 : vector<16xi1>, vector<16xi32>
      %eq3A_202 = arith.constant 1 : i32
      %eq3A_203 = vector.broadcast %eq3A_202 : i32 to vector<16xi32>
      %eq3A_204 = arith.cmpi eq, %iota3A, %eq3A_203 : vector<16xi32>
      %broadcast_in_dim3A_205 = vector.broadcast %reduce_max3A_93 : f32 to vector<16xf32>
      %select_n3A_206 = arith.select %eq3A_204, %broadcast_in_dim3A_205, %select_n3A_196 : vector<16xi1>, vector<16xf32>
      %eq3A_207 = arith.constant 2 : i32
      %eq3A_208 = vector.broadcast %eq3A_207 : i32 to vector<16xi32>
      %eq3A_209 = arith.cmpi eq, %iota3A, %eq3A_208 : vector<16xi32>
      %broadcast_in_dim3A_210 = vector.broadcast %add3A_182 : i32 to vector<16xi32>
      %select_n3A_211 = arith.select %eq3A_209, %broadcast_in_dim3A_210, %select_n3A_201 : vector<16xi1>, vector<16xi32>
      %eq3A_212 = arith.constant 2 : i32
      %eq3A_213 = vector.broadcast %eq3A_212 : i32 to vector<16xi32>
      %eq3A_214 = arith.cmpi eq, %iota3A, %eq3A_213 : vector<16xi32>
      %broadcast_in_dim3A_215 = vector.broadcast %reduce_max3A_156 : f32 to vector<16xf32>
      %select_n3A_216 = arith.select %eq3A_214, %broadcast_in_dim3A_215, %select_n3A_206 : vector<16xi1>, vector<16xf32>
      %swap3A = arith.constant 0 : index
      %swap3A_217 = tpu.vector_load %arg6[%swap3A] {strides = array<i32>} : memref<16xi32, #tpu.memory_space<vmem>>, vector<16xi32>,
      tpu.vector_store %arg6[%swap3A], %select_n3A_211 {strides = array<i32>} : memref<16xi32, #tpu.memory_space<vmem>>, vector<16xi32>,
      %swap3A_218 = arith.constant 0 : index
      %swap3A_219 = tpu.vector_load %arg7[%swap3A_218] {strides = array<i32>} : memref<16xf32, #tpu.memory_space<vmem>>, vector<16xf32>,
      tpu.vector_store %arg7[%swap3A_218], %select_n3A_216 {strides = array<i32>} : memref<16xf32, #tpu.memory_space<vmem>>, vector<16xf32>,
      %mul3A_220 = arith.constant 3 : i32
      %mul3A_221 = arith.muli %sub3A_20, %mul3A_220 : i32
      %add3A_222 = arith.constant 1 : i32
      %add3A_223 = arith.addi %mul3A_221, %add3A_222 : i32
      %mul3A_224 = arith.constant 8 : i32
      %mul3A_225 = arith.muli %add3A_223, %mul3A_224 : i32
      "tpu.region"() ({
        %run_scoped3A = tpu.sem_alloc : memref<!tpu.dma_semaphore, #tpu.memory_space<semaphore_mem>>
        %dma_start3A = arith.constant 0 : i32
        %dma_start3A_226 = tpu.memref_slice %arg6[%dma_start3A] : memref<16xi32, #tpu.memory_space<vmem>> -> memref<8xi32, #tpu.memory_space<vmem>>
        %dma_start3A_227 = tpu.memref_slice %arg3[%mul3A_225] : memref<96xi32, #tpu.memory_space<hbm>> -> memref<8xi32, #tpu.memory_space<hbm>>
        %dma_start3A_228 = tpu.memref_slice %arg3[%mul3A_225] : memref<96xi32, #tpu.memory_space<hbm>> -> memref<8xi32, #tpu.memory_space<hbm>>
        %dma_start3A_229 = arith.constant 0 : i32
        %dma_start3A_230 = tpu.memref_slice %arg6[%dma_start3A_229] : memref<16xi32, #tpu.memory_space<vmem>> -> memref<8xi32, #tpu.memory_space<vmem>>
        tpu.enqueue_dma source(%dma_start3A_230 : memref<8xi32, #tpu.memory_space<vmem>>) target(%dma_start3A_228 : memref<8xi32, #tpu.memory_space<hbm>>) target_semaphore(%run_scoped3A : memref<!tpu.dma_semaphore, #tpu.memory_space<semaphore_mem>>)
        %dma_wait3A = arith.constant 0 : i32
        %dma_wait3A_231 = tpu.memref_slice %arg6[%dma_wait3A] : memref<16xi32, #tpu.memory_space<vmem>> -> memref<8xi32, #tpu.memory_space<vmem>>
        %dma_wait3A_232 = tpu.memref_slice %arg3[%mul3A_225] : memref<96xi32, #tpu.memory_space<hbm>> -> memref<8xi32, #tpu.memory_space<hbm>>
        %dma_wait3A_233 = tpu.memref_slice %arg3[%mul3A_225] : memref<96xi32, #tpu.memory_space<hbm>> -> memref<8xi32, #tpu.memory_space<hbm>>
        %dma_wait3A_234 = arith.constant 0 : i32
        %dma_wait3A_235 = tpu.memref_slice %arg6[%dma_wait3A_234] : memref<16xi32, #tpu.memory_space<vmem>> -> memref<8xi32, #tpu.memory_space<vmem>>
        tpu.wait_dma2 semaphore(%run_scoped3A : memref<!tpu.dma_semaphore, #tpu.memory_space<semaphore_mem>>) src(%dma_wait3A_235 : memref<8xi32, #tpu.memory_space<vmem>>) dst(%dma_wait3A_233 : memref<8xi32, #tpu.memory_space<hbm>>)
        tpu.yield
      }) : () -> ()
      "tpu.region"() ({
        %run_scoped3A = tpu.sem_alloc : memref<!tpu.dma_semaphore, #tpu.memory_space<semaphore_mem>>
        %dma_start3A = arith.constant 0 : i32
        %dma_start3A_226 = tpu.memref_slice %arg7[%dma_start3A] : memref<16xf32, #tpu.memory_space<vmem>> -> memref<8xf32, #tpu.memory_space<vmem>>
        %dma_start3A_227 = tpu.memref_slice %arg4[%mul3A_225] : memref<96xf32, #tpu.memory_space<hbm>> -> memref<8xf32, #tpu.memory_space<hbm>>
        %dma_start3A_228 = tpu.memref_slice %arg4[%mul3A_225] : memref<96xf32, #tpu.memory_space<hbm>> -> memref<8xf32, #tpu.memory_space<hbm>>
        %dma_start3A_229 = arith.constant 0 : i32
        %dma_start3A_230 = tpu.memref_slice %arg7[%dma_start3A_229] : memref<16xf32, #tpu.memory_space<vmem>> -> memref<8xf32, #tpu.memory_space<vmem>>
        tpu.enqueue_dma source(%dma_start3A_230 : memref<8xf32, #tpu.memory_space<vmem>>) target(%dma_start3A_228 : memref<8xf32, #tpu.memory_space<hbm>>) target_semaphore(%run_scoped3A : memref<!tpu.dma_semaphore, #tpu.memory_space<semaphore_mem>>)
        %dma_wait3A = arith.constant 0 : i32
        %dma_wait3A_231 = tpu.memref_slice %arg7[%dma_wait3A] : memref<16xf32, #tpu.memory_space<vmem>> -> memref<8xf32, #tpu.memory_space<vmem>>
        %dma_wait3A_232 = tpu.memref_slice %arg4[%mul3A_225] : memref<96xf32, #tpu.memory_space<hbm>> -> memref<8xf32, #tpu.memory_space<hbm>>
        %dma_wait3A_233 = tpu.memref_slice %arg4[%mul3A_225] : memref<96xf32, #tpu.memory_space<hbm>> -> memref<8xf32, #tpu.memory_space<hbm>>
        %dma_wait3A_234 = arith.constant 0 : i32
        %dma_wait3A_235 = tpu.memref_slice %arg7[%dma_wait3A_234] : memref<16xf32, #tpu.memory_space<vmem>> -> memref<8xf32, #tpu.memory_space<vmem>>
        tpu.wait_dma2 semaphore(%run_scoped3A : memref<!tpu.dma_semaphore, #tpu.memory_space<semaphore_mem>>) src(%dma_wait3A_235 : memref<8xf32, #tpu.memory_space<vmem>>) dst(%dma_wait3A_233 : memref<8xf32, #tpu.memory_space<hbm>>)
        tpu.yield
      }) : () -> ()
    } else {
    }
    %ge3A_12 = arith.constant 8 : i32
    %ge3A_13 = arith.cmpi sge, %add3A, %ge3A_12 : i32
    %lt3A_14 = arith.constant 12 : i32
    %lt3A_15 = arith.cmpi slt, %add3A, %lt3A_14 : i32
    %and3A_16 = arith.andi %ge3A_13, %lt3A_15 : i1
    %convert_element_type3A_17 = arith.extui %and3A_16 : i1 to i32
    %cond3A_18 = arith.constant 0 : i32
    %cond3A_19 = arith.cmpi ne, %convert_element_type3A_17, %cond3A_18 : i32
    scf.if %cond3A_19 {
      %sub3A = arith.constant 8 : i32
      %sub3A_20 = arith.subi %add3A, %sub3A : i32
      %mul3A_21 = arith.constant 135 : i32
      %mul3A_22 = arith.muli %sub3A_20, %mul3A_21 : i32
      %mul3A_23 = arith.constant 64 : i32
      %mul3A_24 = arith.muli %mul3A_22, %mul3A_23 : i32
      %add3A_25 = arith.constant 6016 : i32
      %add3A_26 = arith.addi %mul3A_24, %add3A_25 : i32
      "tpu.region"() ({
        %run_scoped3A = tpu.sem_alloc : memref<!tpu.dma_semaphore, #tpu.memory_space<semaphore_mem>>
        %dma_start3A = arith.constant 0 : i32
        %dma_start3A_153 = tpu.memref_slice %arg5[%dma_start3A] : memref<3136xf32, #tpu.memory_space<vmem>> -> memref<2624xf32, #tpu.memory_space<vmem>>
        %dma_start3A_154 = tpu.memref_slice %arg2[%add3A_26] : memref<34560xf32, #tpu.memory_space<hbm>> -> memref<2624xf32, #tpu.memory_space<hbm>>
        %dma_start3A_155 = arith.constant 0 : i32
        %dma_start3A_156 = tpu.memref_slice %arg5[%dma_start3A_155] : memref<3136xf32, #tpu.memory_space<vmem>> -> memref<2624xf32, #tpu.memory_space<vmem>>
        %dma_start3A_157 = tpu.memref_slice %arg2[%add3A_26] : memref<34560xf32, #tpu.memory_space<hbm>> -> memref<2624xf32, #tpu.memory_space<hbm>>
        tpu.enqueue_dma source(%dma_start3A_157 : memref<2624xf32, #tpu.memory_space<hbm>>) target(%dma_start3A_156 : memref<2624xf32, #tpu.memory_space<vmem>>) target_semaphore(%run_scoped3A : memref<!tpu.dma_semaphore, #tpu.memory_space<semaphore_mem>>)
        %dma_wait3A = arith.constant 0 : i32
        %dma_wait3A_158 = tpu.memref_slice %arg5[%dma_wait3A] : memref<3136xf32, #tpu.memory_space<vmem>> -> memref<2624xf32, #tpu.memory_space<vmem>>
        %dma_wait3A_159 = tpu.memref_slice %arg2[%add3A_26] : memref<34560xf32, #tpu.memory_space<hbm>> -> memref<2624xf32, #tpu.memory_space<hbm>>
        %dma_wait3A_160 = arith.constant 0 : i32
        %dma_wait3A_161 = tpu.memref_slice %arg5[%dma_wait3A_160] : memref<3136xf32, #tpu.memory_space<vmem>> -> memref<2624xf32, #tpu.memory_space<vmem>>
        %dma_wait3A_162 = tpu.memref_slice %arg2[%add3A_26] : memref<34560xf32, #tpu.memory_space<hbm>> -> memref<2624xf32, #tpu.memory_space<hbm>>
        tpu.wait_dma2 semaphore(%run_scoped3A : memref<!tpu.dma_semaphore, #tpu.memory_space<semaphore_mem>>) src(%dma_wait3A_162 : memref<2624xf32, #tpu.memory_space<hbm>>) dst(%dma_wait3A_161 : memref<2624xf32, #tpu.memory_space<vmem>>)
        tpu.yield
      }) : () -> ()
      %broadcast_in_dim3A = arith.constant 0xFF800000 : f32
      %broadcast_in_dim3A_27 = vector.broadcast %broadcast_in_dim3A : f32 to vector<16xf32>
      %broadcast_in_dim3A_28 = arith.constant 0 : i32
      %broadcast_in_dim3A_29 = vector.broadcast %broadcast_in_dim3A_28 : i32 to vector<16xi32>
      %scan3A = arith.constant 0 : i32
      %scan3A_30 = arith.constant 164 : i32
      %scan3A_31 = arith.addi %scan3A, %scan3A_30 : i32
      %scan3A_32 = arith.constant 1 : i32
      %scan3A_33:2 = scf.for %scan3A_153 = %scan3A to %scan3A_31 step %scan3A_32 iter_args(%scan3A_154 = %broadcast_in_dim3A_27, %scan3A_155 = %broadcast_in_dim3A_29) -> (vector<16xf32>, vector<16xi32>)  : i32 {
        %mul3A_156 = arith.constant 16 : i32
        %mul3A_157 = arith.muli %scan3A_153, %mul3A_156 : i32
        %get3A = arith.index_cast %mul3A_157 : i32 to index
        %get3A_158 = tpu.vector_load %arg5[%get3A] {strides = array<i32>} : memref<3136xf32, #tpu.memory_space<vmem>>, vector<16xf32>,
        %ge3A_159 = arith.cmpf oge, %get3A_158, %scan3A_154 : vector<16xf32>
        %max3A_160 = arith.maximumf %scan3A_154, %get3A_158 : vector<16xf32>
        %broadcast_in_dim3A_161 = vector.broadcast %scan3A_153 : i32 to vector<16xi32>
        %select_n3A_162 = arith.select %ge3A_159, %broadcast_in_dim3A_161, %scan3A_155 : vector<16xi1>, vector<16xi32>
        scf.yield %max3A_160, %select_n3A_162 : vector<16xf32>, vector<16xi32>
      }
      %scan3A_34 = arith.constant 164 : i32
      %reduce_max3A = arith.constant true
      %reduce_max3A_35 = vector.broadcast %reduce_max3A : i1 to vector<16xi1>
      %reduce_max3A_36 = tpu.scan <max>, %scan3A_33#0 masked %reduce_max3A_35 : vector<16xf32>, vector<16xi1> -> vector<16xf32>
      %reduce_max3A_37 = vector.extract %reduce_max3A_36[15] : f32 from vector<16xf32>
      %mul3A_38 = arith.constant 16 : i32
      %mul3A_39 = vector.broadcast %mul3A_38 : i32 to vector<16xi32>
      %mul3A_40 = arith.muli %scan3A_33#1, %mul3A_39 : vector<16xi32>
      %add3A_41 = arith.addi %mul3A_40, %iota3A : vector<16xi32>
      %eq3A = vector.broadcast %reduce_max3A_37 : f32 to vector<16xf32>
      %eq3A_42 = arith.cmpf oeq, %scan3A_33#0, %eq3A : vector<16xf32>
      %jit3A = arith.constant -1 : i32
      %broadcast_in_dim3A_43 = vector.broadcast %jit3A : i32 to vector<16xi32>
      %select_n3A = arith.select %eq3A_42, %add3A_41, %broadcast_in_dim3A_43 : vector<16xi1>, vector<16xi32>
      %reduce_max3A_44 = arith.constant true
      %reduce_max3A_45 = vector.broadcast %reduce_max3A_44 : i1 to vector<16xi1>
      %reduce_max3A_46 = arith.constant -2147483648 : i32
      %reduce_max3A_47 = vector.broadcast %reduce_max3A_46 : i32 to vector<16xi32>
      %reduce_max3A_48 = arith.xori %select_n3A, %reduce_max3A_47 : vector<16xi32>
      %reduce_max3A_49 = tpu.scan <max>, %reduce_max3A_48 masked %reduce_max3A_45 : vector<16xi32>, vector<16xi1> -> vector<16xi32>
      %reduce_max3A_50 = arith.xori %reduce_max3A_49, %reduce_max3A_47 : vector<16xi32>
      %reduce_max3A_51 = vector.extract %reduce_max3A_50[15] : i32 from vector<16xi32>
      %shift_right_arithmetic3A = arith.constant 6 : i32
      %shift_right_arithmetic3A_52 = arith.shrsi %reduce_max3A_51, %shift_right_arithmetic3A : i32
      %and3A_53 = arith.constant 63 : i32
      %and3A_54 = arith.andi %reduce_max3A_51, %and3A_53 : i32
      %mul3A_55 = arith.constant 41 : i32
      %mul3A_56 = arith.muli %shift_right_arithmetic3A_52, %mul3A_55 : i32
      %add3A_57 = arith.constant 4426 : i32
      %add3A_58 = arith.addi %add3A_57, %mul3A_56 : i32
      %add3A_59 = arith.addi %add3A_58, %and3A_54 : i32
      %sub3A_60 = arith.constant 15 : i32
      %sub3A_61 = arith.subi %shift_right_arithmetic3A_52, %sub3A_60 : i32
      %max3A = arith.constant 0 : i32
      %max3A_62 = arith.maxsi %sub3A_61, %max3A : i32
      %mul3A_63 = arith.constant 4 : i32
      %mul3A_64 = arith.muli %max3A_62, %mul3A_63 : i32
      %add3A_65 = arith.constant 16 : i32
      %add3A_66 = arith.addi %shift_right_arithmetic3A_52, %add3A_65 : i32
      %min3A = arith.constant 41 : i32
      %min3A_67 = arith.minsi %add3A_66, %min3A : i32
      %mul3A_68 = arith.constant 4 : i32
      %mul3A_69 = arith.muli %min3A_67, %mul3A_68 : i32
      %while3A = arith.constant 0 : i32
      %while3A_70 = arith.subi %mul3A_69, %mul3A_64 : i32
      %while3A_71 = arith.addi %mul3A_64, %while3A_70 : i32
      %while3A_72 = arith.constant 1 : i32
      %while3A_73 = arith.divsi %while3A_70, %while3A_72 : i32
      %while3A_74 = arith.muli %while3A_73, %while3A_72 : i32
      %while3A_75 = arith.addi %mul3A_64, %while3A_74 : i32
      %while3A_76 = arith.constant 1 : i32
      %while3A_77 = scf.for %while3A_153 = %mul3A_64 to %while3A_75 step %while3A_76 iter_args(%while3A_154 = %while3A) -> (i32)  : i32 {
        %shift_right_arithmetic3A_155 = arith.constant 2 : i32
        %shift_right_arithmetic3A_156 = arith.shrsi %while3A_153, %shift_right_arithmetic3A_155 : i32
        %and3A_157 = arith.constant 3 : i32
        %and3A_158 = arith.andi %while3A_153, %and3A_157 : i32
        %mul3A_159 = arith.constant 16 : i32
        %mul3A_160 = arith.muli %and3A_158, %mul3A_159 : i32
        %add3A_161 = vector.broadcast %mul3A_160 : i32 to vector<16xi32>
        %add3A_162 = arith.addi %add3A_161, %iota3A : vector<16xi32>
        %sub3A_163 = arith.subi %shift_right_arithmetic3A_156, %shift_right_arithmetic3A_52 : i32
        %abs3A = math.absi %sub3A_163 : i32
        %sub3A_164 = arith.constant 16 : i32
        %sub3A_165 = arith.subi %sub3A_164, %abs3A : i32
        %max3A_166 = arith.constant 0 : i32
        %max3A_167 = arith.maxsi %sub3A_165, %max3A_166 : i32
        %sub3A_168 = vector.broadcast %and3A_54 : i32 to vector<16xi32>
        %sub3A_169 = arith.subi %add3A_162, %sub3A_168 : vector<16xi32>
        %abs3A_170 = math.absi %sub3A_169 : vector<16xi32>
        %sub3A_171 = arith.constant 16 : i32
        %sub3A_172 = vector.broadcast %sub3A_171 : i32 to vector<16xi32>
        %sub3A_173 = arith.subi %sub3A_172, %abs3A_170 : vector<16xi32>
        %max3A_174 = arith.constant 0 : i32
        %max3A_175 = vector.broadcast %max3A_174 : i32 to vector<16xi32>
        %max3A_176 = arith.maxsi %sub3A_173, %max3A_175 : vector<16xi32>
        %mul3A_177 = arith.constant 5 : i32
        %mul3A_178 = arith.muli %mul3A_177, %max3A_167 : i32
        %mul3A_179 = vector.broadcast %mul3A_178 : i32 to vector<16xi32>
        %mul3A_180 = arith.muli %mul3A_179, %max3A_176 : vector<16xi32>
        %gt3A = arith.constant 512 : i32
        %gt3A_181 = vector.broadcast %gt3A : i32 to vector<16xi32>
        %gt3A_182 = arith.cmpi sgt, %mul3A_180, %gt3A_181 : vector<16xi32>
        %eq3A_183 = arith.cmpi eq, %shift_right_arithmetic3A_156, %shift_right_arithmetic3A_52 : i32
        %eq3A_184 = vector.broadcast %and3A_54 : i32 to vector<16xi32>
        %eq3A_185 = arith.cmpi eq, %add3A_162, %eq3A_184 : vector<16xi32>
        %and3A_186 = vector.broadcast %eq3A_183 : i1 to vector<16xi1>
        %and3A_187 = arith.andi %and3A_186, %eq3A_185 : vector<16xi1>
        %or3A = arith.ori %gt3A_182, %and3A_187 : vector<16xi1>
        %mul3A_188 = arith.constant 16 : i32
        %mul3A_189 = arith.muli %while3A_153, %mul3A_188 : i32
        %get3A = arith.index_cast %mul3A_189 : i32 to index
        %get3A_190 = tpu.vector_load %arg5[%get3A] {strides = array<i32>} : memref<3136xf32, #tpu.memory_space<vmem>>, vector<16xf32>,
        %jit3A_191 = arith.constant 0xFF800000 : f32
        %broadcast_in_dim3A_192 = vector.broadcast %jit3A_191 : f32 to vector<16xf32>
        %select_n3A_193 = arith.select %or3A, %broadcast_in_dim3A_192, %get3A_190 : vector<16xi1>, vector<16xf32>
        %mul3A_194 = arith.constant 16 : i32
        %mul3A_195 = arith.muli %while3A_153, %mul3A_194 : i32
        %swap3A_196 = arith.index_cast %mul3A_195 : i32 to index
        %swap3A_197 = tpu.vector_load %arg5[%swap3A_196] {strides = array<i32>} : memref<3136xf32, #tpu.memory_space<vmem>>, vector<16xf32>,
        tpu.vector_store %arg5[%swap3A_196], %select_n3A_193 {strides = array<i32>} : memref<3136xf32, #tpu.memory_space<vmem>>, vector<16xf32>,
        %while3A_198 = arith.constant 0 : i32
        scf.yield %while3A_198 : i32
      }
      %while3A_78 = arith.constant 1 : i32
      %while3A_79 = scf.for %while3A_153 = %while3A_75 to %while3A_71 step %while3A_78 iter_args(%while3A_154 = %while3A_77) -> (i32)  : i32 {
        %shift_right_arithmetic3A_155 = arith.constant 2 : i32
        %shift_right_arithmetic3A_156 = arith.shrsi %while3A_153, %shift_right_arithmetic3A_155 : i32
        %and3A_157 = arith.constant 3 : i32
        %and3A_158 = arith.andi %while3A_153, %and3A_157 : i32
        %mul3A_159 = arith.constant 16 : i32
        %mul3A_160 = arith.muli %and3A_158, %mul3A_159 : i32
        %add3A_161 = vector.broadcast %mul3A_160 : i32 to vector<16xi32>
        %add3A_162 = arith.addi %add3A_161, %iota3A : vector<16xi32>
        %sub3A_163 = arith.subi %shift_right_arithmetic3A_156, %shift_right_arithmetic3A_52 : i32
        %abs3A = math.absi %sub3A_163 : i32
        %sub3A_164 = arith.constant 16 : i32
        %sub3A_165 = arith.subi %sub3A_164, %abs3A : i32
        %max3A_166 = arith.constant 0 : i32
        %max3A_167 = arith.maxsi %sub3A_165, %max3A_166 : i32
        %sub3A_168 = vector.broadcast %and3A_54 : i32 to vector<16xi32>
        %sub3A_169 = arith.subi %add3A_162, %sub3A_168 : vector<16xi32>
        %abs3A_170 = math.absi %sub3A_169 : vector<16xi32>
        %sub3A_171 = arith.constant 16 : i32
        %sub3A_172 = vector.broadcast %sub3A_171 : i32 to vector<16xi32>
        %sub3A_173 = arith.subi %sub3A_172, %abs3A_170 : vector<16xi32>
        %max3A_174 = arith.constant 0 : i32
        %max3A_175 = vector.broadcast %max3A_174 : i32 to vector<16xi32>
        %max3A_176 = arith.maxsi %sub3A_173, %max3A_175 : vector<16xi32>
        %mul3A_177 = arith.constant 5 : i32
        %mul3A_178 = arith.muli %mul3A_177, %max3A_167 : i32
        %mul3A_179 = vector.broadcast %mul3A_178 : i32 to vector<16xi32>
        %mul3A_180 = arith.muli %mul3A_179, %max3A_176 : vector<16xi32>
        %gt3A = arith.constant 512 : i32
        %gt3A_181 = vector.broadcast %gt3A : i32 to vector<16xi32>
        %gt3A_182 = arith.cmpi sgt, %mul3A_180, %gt3A_181 : vector<16xi32>
        %eq3A_183 = arith.cmpi eq, %shift_right_arithmetic3A_156, %shift_right_arithmetic3A_52 : i32
        %eq3A_184 = vector.broadcast %and3A_54 : i32 to vector<16xi32>
        %eq3A_185 = arith.cmpi eq, %add3A_162, %eq3A_184 : vector<16xi32>
        %and3A_186 = vector.broadcast %eq3A_183 : i1 to vector<16xi1>
        %and3A_187 = arith.andi %and3A_186, %eq3A_185 : vector<16xi1>
        %or3A = arith.ori %gt3A_182, %and3A_187 : vector<16xi1>
        %mul3A_188 = arith.constant 16 : i32
        %mul3A_189 = arith.muli %while3A_153, %mul3A_188 : i32
        %get3A = arith.index_cast %mul3A_189 : i32 to index
        %get3A_190 = tpu.vector_load %arg5[%get3A] {strides = array<i32>} : memref<3136xf32, #tpu.memory_space<vmem>>, vector<16xf32>,
        %jit3A_191 = arith.constant 0xFF800000 : f32
        %broadcast_in_dim3A_192 = vector.broadcast %jit3A_191 : f32 to vector<16xf32>
        %select_n3A_193 = arith.select %or3A, %broadcast_in_dim3A_192, %get3A_190 : vector<16xi1>, vector<16xf32>
        %mul3A_194 = arith.constant 16 : i32
        %mul3A_195 = arith.muli %while3A_153, %mul3A_194 : i32
        %swap3A_196 = arith.index_cast %mul3A_195 : i32 to index
        %swap3A_197 = tpu.vector_load %arg5[%swap3A_196] {strides = array<i32>} : memref<3136xf32, #tpu.memory_space<vmem>>, vector<16xf32>,
        tpu.vector_store %arg5[%swap3A_196], %select_n3A_193 {strides = array<i32>} : memref<3136xf32, #tpu.memory_space<vmem>>, vector<16xf32>,
        %while3A_198 = arith.constant 0 : i32
        scf.yield %while3A_198 : i32
      }
      %broadcast_in_dim3A_80 = arith.constant 0xFF800000 : f32
      %broadcast_in_dim3A_81 = vector.broadcast %broadcast_in_dim3A_80 : f32 to vector<16xf32>
      %broadcast_in_dim3A_82 = arith.constant 0 : i32
      %broadcast_in_dim3A_83 = vector.broadcast %broadcast_in_dim3A_82 : i32 to vector<16xi32>
      %scan3A_84 = arith.constant 0 : i32
      %scan3A_85 = arith.constant 164 : i32
      %scan3A_86 = arith.addi %scan3A_84, %scan3A_85 : i32
      %scan3A_87 = arith.constant 1 : i32
      %scan3A_88:2 = scf.for %scan3A_153 = %scan3A_84 to %scan3A_86 step %scan3A_87 iter_args(%scan3A_154 = %broadcast_in_dim3A_81, %scan3A_155 = %broadcast_in_dim3A_83) -> (vector<16xf32>, vector<16xi32>)  : i32 {
        %mul3A_156 = arith.constant 16 : i32
        %mul3A_157 = arith.muli %scan3A_153, %mul3A_156 : i32
        %get3A = arith.index_cast %mul3A_157 : i32 to index
        %get3A_158 = tpu.vector_load %arg5[%get3A] {strides = array<i32>} : memref<3136xf32, #tpu.memory_space<vmem>>, vector<16xf32>,
        %ge3A_159 = arith.cmpf oge, %get3A_158, %scan3A_154 : vector<16xf32>
        %max3A_160 = arith.maximumf %scan3A_154, %get3A_158 : vector<16xf32>
        %broadcast_in_dim3A_161 = vector.broadcast %scan3A_153 : i32 to vector<16xi32>
        %select_n3A_162 = arith.select %ge3A_159, %broadcast_in_dim3A_161, %scan3A_155 : vector<16xi1>, vector<16xi32>
        scf.yield %max3A_160, %select_n3A_162 : vector<16xf32>, vector<16xi32>
      }
      %scan3A_89 = arith.constant 164 : i32
      %reduce_max3A_90 = arith.constant true
      %reduce_max3A_91 = vector.broadcast %reduce_max3A_90 : i1 to vector<16xi1>
      %reduce_max3A_92 = tpu.scan <max>, %scan3A_88#0 masked %reduce_max3A_91 : vector<16xf32>, vector<16xi1> -> vector<16xf32>
      %reduce_max3A_93 = vector.extract %reduce_max3A_92[15] : f32 from vector<16xf32>
      %mul3A_94 = arith.constant 16 : i32
      %mul3A_95 = vector.broadcast %mul3A_94 : i32 to vector<16xi32>
      %mul3A_96 = arith.muli %scan3A_88#1, %mul3A_95 : vector<16xi32>
      %add3A_97 = arith.addi %mul3A_96, %iota3A : vector<16xi32>
      %eq3A_98 = vector.broadcast %reduce_max3A_93 : f32 to vector<16xf32>
      %eq3A_99 = arith.cmpf oeq, %scan3A_88#0, %eq3A_98 : vector<16xf32>
      %jit3A_100 = arith.constant -1 : i32
      %broadcast_in_dim3A_101 = vector.broadcast %jit3A_100 : i32 to vector<16xi32>
      %select_n3A_102 = arith.select %eq3A_99, %add3A_97, %broadcast_in_dim3A_101 : vector<16xi1>, vector<16xi32>
      %reduce_max3A_103 = arith.constant true
      %reduce_max3A_104 = vector.broadcast %reduce_max3A_103 : i1 to vector<16xi1>
      %reduce_max3A_105 = arith.constant -2147483648 : i32
      %reduce_max3A_106 = vector.broadcast %reduce_max3A_105 : i32 to vector<16xi32>
      %reduce_max3A_107 = arith.xori %select_n3A_102, %reduce_max3A_106 : vector<16xi32>
      %reduce_max3A_108 = tpu.scan <max>, %reduce_max3A_107 masked %reduce_max3A_104 : vector<16xi32>, vector<16xi1> -> vector<16xi32>
      %reduce_max3A_109 = arith.xori %reduce_max3A_108, %reduce_max3A_106 : vector<16xi32>
      %reduce_max3A_110 = vector.extract %reduce_max3A_109[15] : i32 from vector<16xi32>
      %shift_right_arithmetic3A_111 = arith.constant 6 : i32
      %shift_right_arithmetic3A_112 = arith.shrsi %reduce_max3A_110, %shift_right_arithmetic3A_111 : i32
      %and3A_113 = arith.constant 63 : i32
      %and3A_114 = arith.andi %reduce_max3A_110, %and3A_113 : i32
      %mul3A_115 = arith.constant 41 : i32
      %mul3A_116 = arith.muli %shift_right_arithmetic3A_112, %mul3A_115 : i32
      %add3A_117 = arith.constant 4426 : i32
      %add3A_118 = arith.addi %add3A_117, %mul3A_116 : i32
      %add3A_119 = arith.addi %add3A_118, %and3A_114 : i32
      %broadcast_in_dim3A_120 = arith.constant 0 : i32
      %broadcast_in_dim3A_121 = vector.broadcast %broadcast_in_dim3A_120 : i32 to vector<16xi32>
      %broadcast_in_dim3A_122 = arith.constant 0.000000e+00 : f32
      %broadcast_in_dim3A_123 = vector.broadcast %broadcast_in_dim3A_122 : f32 to vector<16xf32>
      %eq3A_124 = arith.constant 0 : i32
      %eq3A_125 = vector.broadcast %eq3A_124 : i32 to vector<16xi32>
      %eq3A_126 = arith.cmpi eq, %iota3A, %eq3A_125 : vector<16xi32>
      %broadcast_in_dim3A_127 = vector.broadcast %add3A_59 : i32 to vector<16xi32>
      %select_n3A_128 = arith.select %eq3A_126, %broadcast_in_dim3A_127, %broadcast_in_dim3A_121 : vector<16xi1>, vector<16xi32>
      %eq3A_129 = arith.constant 0 : i32
      %eq3A_130 = vector.broadcast %eq3A_129 : i32 to vector<16xi32>
      %eq3A_131 = arith.cmpi eq, %iota3A, %eq3A_130 : vector<16xi32>
      %broadcast_in_dim3A_132 = vector.broadcast %reduce_max3A_37 : f32 to vector<16xf32>
      %select_n3A_133 = arith.select %eq3A_131, %broadcast_in_dim3A_132, %broadcast_in_dim3A_123 : vector<16xi1>, vector<16xf32>
      %eq3A_134 = arith.constant 1 : i32
      %eq3A_135 = vector.broadcast %eq3A_134 : i32 to vector<16xi32>
      %eq3A_136 = arith.cmpi eq, %iota3A, %eq3A_135 : vector<16xi32>
      %broadcast_in_dim3A_137 = vector.broadcast %add3A_119 : i32 to vector<16xi32>
      %select_n3A_138 = arith.select %eq3A_136, %broadcast_in_dim3A_137, %select_n3A_128 : vector<16xi1>, vector<16xi32>
      %eq3A_139 = arith.constant 1 : i32
      %eq3A_140 = vector.broadcast %eq3A_139 : i32 to vector<16xi32>
      %eq3A_141 = arith.cmpi eq, %iota3A, %eq3A_140 : vector<16xi32>
      %broadcast_in_dim3A_142 = vector.broadcast %reduce_max3A_93 : f32 to vector<16xf32>
      %select_n3A_143 = arith.select %eq3A_141, %broadcast_in_dim3A_142, %select_n3A_133 : vector<16xi1>, vector<16xf32>
      %swap3A = arith.constant 0 : index
      %swap3A_144 = tpu.vector_load %arg6[%swap3A] {strides = array<i32>} : memref<16xi32, #tpu.memory_space<vmem>>, vector<16xi32>,
      tpu.vector_store %arg6[%swap3A], %select_n3A_138 {strides = array<i32>} : memref<16xi32, #tpu.memory_space<vmem>>, vector<16xi32>,
      %swap3A_145 = arith.constant 0 : index
      %swap3A_146 = tpu.vector_load %arg7[%swap3A_145] {strides = array<i32>} : memref<16xf32, #tpu.memory_space<vmem>>, vector<16xf32>,
      tpu.vector_store %arg7[%swap3A_145], %select_n3A_143 {strides = array<i32>} : memref<16xf32, #tpu.memory_space<vmem>>, vector<16xf32>,
      %mul3A_147 = arith.constant 3 : i32
      %mul3A_148 = arith.muli %sub3A_20, %mul3A_147 : i32
      %add3A_149 = arith.constant 2 : i32
      %add3A_150 = arith.addi %mul3A_148, %add3A_149 : i32
      %mul3A_151 = arith.constant 8 : i32
      %mul3A_152 = arith.muli %add3A_150, %mul3A_151 : i32
      "tpu.region"() ({
        %run_scoped3A = tpu.sem_alloc : memref<!tpu.dma_semaphore, #tpu.memory_space<semaphore_mem>>
        %dma_start3A = arith.constant 0 : i32
        %dma_start3A_153 = tpu.memref_slice %arg6[%dma_start3A] : memref<16xi32, #tpu.memory_space<vmem>> -> memref<8xi32, #tpu.memory_space<vmem>>
        %dma_start3A_154 = tpu.memref_slice %arg3[%mul3A_152] : memref<96xi32, #tpu.memory_space<hbm>> -> memref<8xi32, #tpu.memory_space<hbm>>
        %dma_start3A_155 = tpu.memref_slice %arg3[%mul3A_152] : memref<96xi32, #tpu.memory_space<hbm>> -> memref<8xi32, #tpu.memory_space<hbm>>
        %dma_start3A_156 = arith.constant 0 : i32
        %dma_start3A_157 = tpu.memref_slice %arg6[%dma_start3A_156] : memref<16xi32, #tpu.memory_space<vmem>> -> memref<8xi32, #tpu.memory_space<vmem>>
        tpu.enqueue_dma source(%dma_start3A_157 : memref<8xi32, #tpu.memory_space<vmem>>) target(%dma_start3A_155 : memref<8xi32, #tpu.memory_space<hbm>>) target_semaphore(%run_scoped3A : memref<!tpu.dma_semaphore, #tpu.memory_space<semaphore_mem>>)
        %dma_wait3A = arith.constant 0 : i32
        %dma_wait3A_158 = tpu.memref_slice %arg6[%dma_wait3A] : memref<16xi32, #tpu.memory_space<vmem>> -> memref<8xi32, #tpu.memory_space<vmem>>
        %dma_wait3A_159 = tpu.memref_slice %arg3[%mul3A_152] : memref<96xi32, #tpu.memory_space<hbm>> -> memref<8xi32, #tpu.memory_space<hbm>>
        %dma_wait3A_160 = tpu.memref_slice %arg3[%mul3A_152] : memref<96xi32, #tpu.memory_space<hbm>> -> memref<8xi32, #tpu.memory_space<hbm>>
        %dma_wait3A_161 = arith.constant 0 : i32
        %dma_wait3A_162 = tpu.memref_slice %arg6[%dma_wait3A_161] : memref<16xi32, #tpu.memory_space<vmem>> -> memref<8xi32, #tpu.memory_space<vmem>>
        tpu.wait_dma2 semaphore(%run_scoped3A : memref<!tpu.dma_semaphore, #tpu.memory_space<semaphore_mem>>) src(%dma_wait3A_162 : memref<8xi32, #tpu.memory_space<vmem>>) dst(%dma_wait3A_160 : memref<8xi32, #tpu.memory_space<hbm>>)
        tpu.yield
      }) : () -> ()
      "tpu.region"() ({
        %run_scoped3A = tpu.sem_alloc : memref<!tpu.dma_semaphore, #tpu.memory_space<semaphore_mem>>
        %dma_start3A = arith.constant 0 : i32
        %dma_start3A_153 = tpu.memref_slice %arg7[%dma_start3A] : memref<16xf32, #tpu.memory_space<vmem>> -> memref<8xf32, #tpu.memory_space<vmem>>
        %dma_start3A_154 = tpu.memref_slice %arg4[%mul3A_152] : memref<96xf32, #tpu.memory_space<hbm>> -> memref<8xf32, #tpu.memory_space<hbm>>
        %dma_start3A_155 = tpu.memref_slice %arg4[%mul3A_152] : memref<96xf32, #tpu.memory_space<hbm>> -> memref<8xf32, #tpu.memory_space<hbm>>
        %dma_start3A_156 = arith.constant 0 : i32
        %dma_start3A_157 = tpu.memref_slice %arg7[%dma_start3A_156] : memref<16xf32, #tpu.memory_space<vmem>> -> memref<8xf32, #tpu.memory_space<vmem>>
        tpu.enqueue_dma source(%dma_start3A_157 : memref<8xf32, #tpu.memory_space<vmem>>) target(%dma_start3A_155 : memref<8xf32, #tpu.memory_space<hbm>>) target_semaphore(%run_scoped3A : memref<!tpu.dma_semaphore, #tpu.memory_space<semaphore_mem>>)
        %dma_wait3A = arith.constant 0 : i32
        %dma_wait3A_158 = tpu.memref_slice %arg7[%dma_wait3A] : memref<16xf32, #tpu.memory_space<vmem>> -> memref<8xf32, #tpu.memory_space<vmem>>
        %dma_wait3A_159 = tpu.memref_slice %arg4[%mul3A_152] : memref<96xf32, #tpu.memory_space<hbm>> -> memref<8xf32, #tpu.memory_space<hbm>>
        %dma_wait3A_160 = tpu.memref_slice %arg4[%mul3A_152] : memref<96xf32, #tpu.memory_space<hbm>> -> memref<8xf32, #tpu.memory_space<hbm>>
        %dma_wait3A_161 = arith.constant 0 : i32
        %dma_wait3A_162 = tpu.memref_slice %arg7[%dma_wait3A_161] : memref<16xf32, #tpu.memory_space<vmem>> -> memref<8xf32, #tpu.memory_space<vmem>>
        tpu.wait_dma2 semaphore(%run_scoped3A : memref<!tpu.dma_semaphore, #tpu.memory_space<semaphore_mem>>) src(%dma_wait3A_162 : memref<8xf32, #tpu.memory_space<vmem>>) dst(%dma_wait3A_160 : memref<8xf32, #tpu.memory_space<hbm>>)
        tpu.yield
      }) : () -> ()
    } else {
    }
    return
  }
}

module attributes {stable_mosaic.version = 14 : i64} {
  func.func @_tc_body(%arg0: i32, %arg1: memref<2x256x56x56xf32, #tpu.memory_space<vmem>>, %arg2: memref<2x135x64xf32, #tpu.memory_space<vmem>>) attributes {dimension_semantics = [#tpu.dimension_semantics<parallel>], iteration_bounds = array<i64: 2>, scalar_prefetch = 0 : i64, scratch_operands = 0 : i64, tpu.core_type = #tpu.core_type<tc>, window_params = [{transform_indices = @transform_0, window_bounds = array<i64: 2, 256, 56, 56>}, {transform_indices = @transform_1, window_bounds = array<i64: 2, 135, 64>}]} {
    %get3A = arith.constant 0 : index
    %get3A_0 = arith.constant 0 : index
    %get3A_1 = arith.constant 0 : index
    %get3A_2 = arith.constant 0 : index
    %get3A_3 = vector.load %arg1[%get3A, %get3A_0, %get3A_1, %get3A_2] : memref<2x256x56x56xf32, #tpu.memory_space<vmem>>, vector<1x256x56x56xf32>
    %get3A_4 = vector.shape_cast %get3A_3 : vector<1x256x56x56xf32> to vector<256x56x56xf32>
    %reduce_sum3A = arith.constant dense<0.000000e+00> : vector<56x56xf32>
    %reduce_sum3A_5 = vector.multi_reduction <add>, %get3A_4, %reduce_sum3A [0] : vector<256x56x56xf32> to vector<56x56xf32>
    %slice3A = vector.extract_strided_slice %reduce_sum3A_5 {offsets = [0, 0], sizes = [56, 49], strides = [1, 1]} : vector<56x56xf32> to vector<56x49xf32>
    %slice3A_6 = vector.extract_strided_slice %reduce_sum3A_5 {offsets = [0, 1], sizes = [56, 49], strides = [1, 1]} : vector<56x56xf32> to vector<56x49xf32>
    %add3A = arith.addf %slice3A, %slice3A_6 : vector<56x49xf32>
    %slice3A_7 = vector.extract_strided_slice %reduce_sum3A_5 {offsets = [0, 2], sizes = [56, 49], strides = [1, 1]} : vector<56x56xf32> to vector<56x49xf32>
    %add3A_8 = arith.addf %add3A, %slice3A_7 : vector<56x49xf32>
    %slice3A_9 = vector.extract_strided_slice %reduce_sum3A_5 {offsets = [0, 3], sizes = [56, 49], strides = [1, 1]} : vector<56x56xf32> to vector<56x49xf32>
    %add3A_10 = arith.addf %add3A_8, %slice3A_9 : vector<56x49xf32>
    %slice3A_11 = vector.extract_strided_slice %reduce_sum3A_5 {offsets = [0, 4], sizes = [56, 49], strides = [1, 1]} : vector<56x56xf32> to vector<56x49xf32>
    %add3A_12 = arith.addf %add3A_10, %slice3A_11 : vector<56x49xf32>
    %slice3A_13 = vector.extract_strided_slice %reduce_sum3A_5 {offsets = [0, 5], sizes = [56, 49], strides = [1, 1]} : vector<56x56xf32> to vector<56x49xf32>
    %add3A_14 = arith.addf %add3A_12, %slice3A_13 : vector<56x49xf32>
    %slice3A_15 = vector.extract_strided_slice %reduce_sum3A_5 {offsets = [0, 6], sizes = [56, 49], strides = [1, 1]} : vector<56x56xf32> to vector<56x49xf32>
    %add3A_16 = arith.addf %add3A_14, %slice3A_15 : vector<56x49xf32>
    %slice3A_17 = vector.extract_strided_slice %reduce_sum3A_5 {offsets = [0, 7], sizes = [56, 49], strides = [1, 1]} : vector<56x56xf32> to vector<56x49xf32>
    %add3A_18 = arith.addf %add3A_16, %slice3A_17 : vector<56x49xf32>
    %slice3A_19 = vector.extract_strided_slice %add3A_18 {offsets = [0, 0], sizes = [49, 49], strides = [1, 1]} : vector<56x49xf32> to vector<49x49xf32>
    %slice3A_20 = vector.extract_strided_slice %add3A_18 {offsets = [1, 0], sizes = [49, 49], strides = [1, 1]} : vector<56x49xf32> to vector<49x49xf32>
    %add3A_21 = arith.addf %slice3A_19, %slice3A_20 : vector<49x49xf32>
    %slice3A_22 = vector.extract_strided_slice %add3A_18 {offsets = [2, 0], sizes = [49, 49], strides = [1, 1]} : vector<56x49xf32> to vector<49x49xf32>
    %add3A_23 = arith.addf %add3A_21, %slice3A_22 : vector<49x49xf32>
    %slice3A_24 = vector.extract_strided_slice %add3A_18 {offsets = [3, 0], sizes = [49, 49], strides = [1, 1]} : vector<56x49xf32> to vector<49x49xf32>
    %add3A_25 = arith.addf %add3A_23, %slice3A_24 : vector<49x49xf32>
    %slice3A_26 = vector.extract_strided_slice %add3A_18 {offsets = [4, 0], sizes = [49, 49], strides = [1, 1]} : vector<56x49xf32> to vector<49x49xf32>
    %add3A_27 = arith.addf %add3A_25, %slice3A_26 : vector<49x49xf32>
    %slice3A_28 = vector.extract_strided_slice %add3A_18 {offsets = [5, 0], sizes = [49, 49], strides = [1, 1]} : vector<56x49xf32> to vector<49x49xf32>
    %add3A_29 = arith.addf %add3A_27, %slice3A_28 : vector<49x49xf32>
    %slice3A_30 = vector.extract_strided_slice %add3A_18 {offsets = [6, 0], sizes = [49, 49], strides = [1, 1]} : vector<56x49xf32> to vector<49x49xf32>
    %add3A_31 = arith.addf %add3A_29, %slice3A_30 : vector<49x49xf32>
    %slice3A_32 = vector.extract_strided_slice %add3A_18 {offsets = [7, 0], sizes = [49, 49], strides = [1, 1]} : vector<56x49xf32> to vector<49x49xf32>
    %add3A_33 = arith.addf %add3A_31, %slice3A_32 : vector<49x49xf32>
    %div3A = arith.constant 6.400000e+01 : f32
    %div3A_34 = vector.broadcast %div3A : f32 to vector<49x49xf32>
    %div3A_35 = arith.divf %add3A_33, %div3A_34 : vector<49x49xf32>
    %broadcast_in_dim3A = arith.constant 0xFF800000 : f32
    %broadcast_in_dim3A_36 = vector.broadcast %broadcast_in_dim3A : f32 to vector<49x15xf32>
    %concatenate3A = tpu.concatenate %div3A_35, %broadcast_in_dim3A_36 in 1 : vector<49x49xf32>, vector<49x15xf32> -> vector<49x64xf32>
    %swap3A = arith.constant 0 : index
    %swap3A_37 = arith.constant 0 : index
    %swap3A_38 = arith.constant 0 : index
    %swap3A_39 = vector.load %arg2[%swap3A, %swap3A_37, %swap3A_38] : memref<2x135x64xf32, #tpu.memory_space<vmem>>, vector<1x49x64xf32>
    %swap3A_40 = vector.shape_cast %swap3A_39 : vector<1x49x64xf32> to vector<49x64xf32>
    %swap3A_41 = vector.shape_cast %concatenate3A : vector<49x64xf32> to vector<1x49x64xf32>
    tpu.vector_store %arg2[%swap3A, %swap3A_37, %swap3A_38], %swap3A_41 {strides = array<i32>} : memref<2x135x64xf32, #tpu.memory_space<vmem>>, vector<1x49x64xf32>,
    %slice3A_42 = vector.extract_strided_slice %reduce_sum3A_5 {offsets = [0, 0], sizes = [56, 45], strides = [1, 1]} : vector<56x56xf32> to vector<56x45xf32>
    %slice3A_43 = vector.extract_strided_slice %reduce_sum3A_5 {offsets = [0, 1], sizes = [56, 45], strides = [1, 1]} : vector<56x56xf32> to vector<56x45xf32>
    %add3A_44 = arith.addf %slice3A_42, %slice3A_43 : vector<56x45xf32>
    %slice3A_45 = vector.extract_strided_slice %reduce_sum3A_5 {offsets = [0, 2], sizes = [56, 45], strides = [1, 1]} : vector<56x56xf32> to vector<56x45xf32>
    %add3A_46 = arith.addf %add3A_44, %slice3A_45 : vector<56x45xf32>
    %slice3A_47 = vector.extract_strided_slice %reduce_sum3A_5 {offsets = [0, 3], sizes = [56, 45], strides = [1, 1]} : vector<56x56xf32> to vector<56x45xf32>
    %add3A_48 = arith.addf %add3A_46, %slice3A_47 : vector<56x45xf32>
    %slice3A_49 = vector.extract_strided_slice %reduce_sum3A_5 {offsets = [0, 4], sizes = [56, 45], strides = [1, 1]} : vector<56x56xf32> to vector<56x45xf32>
    %add3A_50 = arith.addf %add3A_48, %slice3A_49 : vector<56x45xf32>
    %slice3A_51 = vector.extract_strided_slice %reduce_sum3A_5 {offsets = [0, 5], sizes = [56, 45], strides = [1, 1]} : vector<56x56xf32> to vector<56x45xf32>
    %add3A_52 = arith.addf %add3A_50, %slice3A_51 : vector<56x45xf32>
    %slice3A_53 = vector.extract_strided_slice %reduce_sum3A_5 {offsets = [0, 6], sizes = [56, 45], strides = [1, 1]} : vector<56x56xf32> to vector<56x45xf32>
    %add3A_54 = arith.addf %add3A_52, %slice3A_53 : vector<56x45xf32>
    %slice3A_55 = vector.extract_strided_slice %reduce_sum3A_5 {offsets = [0, 7], sizes = [56, 45], strides = [1, 1]} : vector<56x56xf32> to vector<56x45xf32>
    %add3A_56 = arith.addf %add3A_54, %slice3A_55 : vector<56x45xf32>
    %slice3A_57 = vector.extract_strided_slice %reduce_sum3A_5 {offsets = [0, 8], sizes = [56, 45], strides = [1, 1]} : vector<56x56xf32> to vector<56x45xf32>
    %add3A_58 = arith.addf %add3A_56, %slice3A_57 : vector<56x45xf32>
    %slice3A_59 = vector.extract_strided_slice %reduce_sum3A_5 {offsets = [0, 9], sizes = [56, 45], strides = [1, 1]} : vector<56x56xf32> to vector<56x45xf32>
    %add3A_60 = arith.addf %add3A_58, %slice3A_59 : vector<56x45xf32>
    %slice3A_61 = vector.extract_strided_slice %reduce_sum3A_5 {offsets = [0, 10], sizes = [56, 45], strides = [1, 1]} : vector<56x56xf32> to vector<56x45xf32>
    %add3A_62 = arith.addf %add3A_60, %slice3A_61 : vector<56x45xf32>
    %slice3A_63 = vector.extract_strided_slice %reduce_sum3A_5 {offsets = [0, 11], sizes = [56, 45], strides = [1, 1]} : vector<56x56xf32> to vector<56x45xf32>
    %add3A_64 = arith.addf %add3A_62, %slice3A_63 : vector<56x45xf32>
    %slice3A_65 = vector.extract_strided_slice %add3A_64 {offsets = [0, 0], sizes = [45, 45], strides = [1, 1]} : vector<56x45xf32> to vector<45x45xf32>
    %slice3A_66 = vector.extract_strided_slice %add3A_64 {offsets = [1, 0], sizes = [45, 45], strides = [1, 1]} : vector<56x45xf32> to vector<45x45xf32>
    %add3A_67 = arith.addf %slice3A_65, %slice3A_66 : vector<45x45xf32>
    %slice3A_68 = vector.extract_strided_slice %add3A_64 {offsets = [2, 0], sizes = [45, 45], strides = [1, 1]} : vector<56x45xf32> to vector<45x45xf32>
    %add3A_69 = arith.addf %add3A_67, %slice3A_68 : vector<45x45xf32>
    %slice3A_70 = vector.extract_strided_slice %add3A_64 {offsets = [3, 0], sizes = [45, 45], strides = [1, 1]} : vector<56x45xf32> to vector<45x45xf32>
    %add3A_71 = arith.addf %add3A_69, %slice3A_70 : vector<45x45xf32>
    %slice3A_72 = vector.extract_strided_slice %add3A_64 {offsets = [4, 0], sizes = [45, 45], strides = [1, 1]} : vector<56x45xf32> to vector<45x45xf32>
    %add3A_73 = arith.addf %add3A_71, %slice3A_72 : vector<45x45xf32>
    %slice3A_74 = vector.extract_strided_slice %add3A_64 {offsets = [5, 0], sizes = [45, 45], strides = [1, 1]} : vector<56x45xf32> to vector<45x45xf32>
    %add3A_75 = arith.addf %add3A_73, %slice3A_74 : vector<45x45xf32>
    %slice3A_76 = vector.extract_strided_slice %add3A_64 {offsets = [6, 0], sizes = [45, 45], strides = [1, 1]} : vector<56x45xf32> to vector<45x45xf32>
    %add3A_77 = arith.addf %add3A_75, %slice3A_76 : vector<45x45xf32>
    %slice3A_78 = vector.extract_strided_slice %add3A_64 {offsets = [7, 0], sizes = [45, 45], strides = [1, 1]} : vector<56x45xf32> to vector<45x45xf32>
    %add3A_79 = arith.addf %add3A_77, %slice3A_78 : vector<45x45xf32>
    %slice3A_80 = vector.extract_strided_slice %add3A_64 {offsets = [8, 0], sizes = [45, 45], strides = [1, 1]} : vector<56x45xf32> to vector<45x45xf32>
    %add3A_81 = arith.addf %add3A_79, %slice3A_80 : vector<45x45xf32>
    %slice3A_82 = vector.extract_strided_slice %add3A_64 {offsets = [9, 0], sizes = [45, 45], strides = [1, 1]} : vector<56x45xf32> to vector<45x45xf32>
    %add3A_83 = arith.addf %add3A_81, %slice3A_82 : vector<45x45xf32>
    %slice3A_84 = vector.extract_strided_slice %add3A_64 {offsets = [10, 0], sizes = [45, 45], strides = [1, 1]} : vector<56x45xf32> to vector<45x45xf32>
    %add3A_85 = arith.addf %add3A_83, %slice3A_84 : vector<45x45xf32>
    %slice3A_86 = vector.extract_strided_slice %add3A_64 {offsets = [11, 0], sizes = [45, 45], strides = [1, 1]} : vector<56x45xf32> to vector<45x45xf32>
    %add3A_87 = arith.addf %add3A_85, %slice3A_86 : vector<45x45xf32>
    %div3A_88 = arith.constant 1.440000e+02 : f32
    %div3A_89 = vector.broadcast %div3A_88 : f32 to vector<45x45xf32>
    %div3A_90 = arith.divf %add3A_87, %div3A_89 : vector<45x45xf32>
    %broadcast_in_dim3A_91 = arith.constant 0xFF800000 : f32
    %broadcast_in_dim3A_92 = vector.broadcast %broadcast_in_dim3A_91 : f32 to vector<45x19xf32>
    %concatenate3A_93 = tpu.concatenate %div3A_90, %broadcast_in_dim3A_92 in 1 : vector<45x45xf32>, vector<45x19xf32> -> vector<45x64xf32>
    %swap3A_94 = arith.constant 0 : index
    %swap3A_95 = arith.constant 49 : index
    %swap3A_96 = arith.constant 0 : index
    %swap3A_97 = vector.load %arg2[%swap3A_94, %swap3A_95, %swap3A_96] : memref<2x135x64xf32, #tpu.memory_space<vmem>>, vector<1x45x64xf32>
    %swap3A_98 = vector.shape_cast %swap3A_97 : vector<1x45x64xf32> to vector<45x64xf32>
    %swap3A_99 = vector.shape_cast %concatenate3A_93 : vector<45x64xf32> to vector<1x45x64xf32>
    tpu.vector_store %arg2[%swap3A_94, %swap3A_95, %swap3A_96], %swap3A_99 {strides = array<i32>} : memref<2x135x64xf32, #tpu.memory_space<vmem>>, vector<1x45x64xf32>,
    %slice3A_100 = vector.extract_strided_slice %reduce_sum3A_5 {offsets = [0, 0], sizes = [56, 41], strides = [1, 1]} : vector<56x56xf32> to vector<56x41xf32>
    %slice3A_101 = vector.extract_strided_slice %reduce_sum3A_5 {offsets = [0, 1], sizes = [56, 41], strides = [1, 1]} : vector<56x56xf32> to vector<56x41xf32>
    %add3A_102 = arith.addf %slice3A_100, %slice3A_101 : vector<56x41xf32>
    %slice3A_103 = vector.extract_strided_slice %reduce_sum3A_5 {offsets = [0, 2], sizes = [56, 41], strides = [1, 1]} : vector<56x56xf32> to vector<56x41xf32>
    %add3A_104 = arith.addf %add3A_102, %slice3A_103 : vector<56x41xf32>
    %slice3A_105 = vector.extract_strided_slice %reduce_sum3A_5 {offsets = [0, 3], sizes = [56, 41], strides = [1, 1]} : vector<56x56xf32> to vector<56x41xf32>
    %add3A_106 = arith.addf %add3A_104, %slice3A_105 : vector<56x41xf32>
    %slice3A_107 = vector.extract_strided_slice %reduce_sum3A_5 {offsets = [0, 4], sizes = [56, 41], strides = [1, 1]} : vector<56x56xf32> to vector<56x41xf32>
    %add3A_108 = arith.addf %add3A_106, %slice3A_107 : vector<56x41xf32>
    %slice3A_109 = vector.extract_strided_slice %reduce_sum3A_5 {offsets = [0, 5], sizes = [56, 41], strides = [1, 1]} : vector<56x56xf32> to vector<56x41xf32>
    %add3A_110 = arith.addf %add3A_108, %slice3A_109 : vector<56x41xf32>
    %slice3A_111 = vector.extract_strided_slice %reduce_sum3A_5 {offsets = [0, 6], sizes = [56, 41], strides = [1, 1]} : vector<56x56xf32> to vector<56x41xf32>
    %add3A_112 = arith.addf %add3A_110, %slice3A_111 : vector<56x41xf32>
    %slice3A_113 = vector.extract_strided_slice %reduce_sum3A_5 {offsets = [0, 7], sizes = [56, 41], strides = [1, 1]} : vector<56x56xf32> to vector<56x41xf32>
    %add3A_114 = arith.addf %add3A_112, %slice3A_113 : vector<56x41xf32>
    %slice3A_115 = vector.extract_strided_slice %reduce_sum3A_5 {offsets = [0, 8], sizes = [56, 41], strides = [1, 1]} : vector<56x56xf32> to vector<56x41xf32>
    %add3A_116 = arith.addf %add3A_114, %slice3A_115 : vector<56x41xf32>
    %slice3A_117 = vector.extract_strided_slice %reduce_sum3A_5 {offsets = [0, 9], sizes = [56, 41], strides = [1, 1]} : vector<56x56xf32> to vector<56x41xf32>
    %add3A_118 = arith.addf %add3A_116, %slice3A_117 : vector<56x41xf32>
    %slice3A_119 = vector.extract_strided_slice %reduce_sum3A_5 {offsets = [0, 10], sizes = [56, 41], strides = [1, 1]} : vector<56x56xf32> to vector<56x41xf32>
    %add3A_120 = arith.addf %add3A_118, %slice3A_119 : vector<56x41xf32>
    %slice3A_121 = vector.extract_strided_slice %reduce_sum3A_5 {offsets = [0, 11], sizes = [56, 41], strides = [1, 1]} : vector<56x56xf32> to vector<56x41xf32>
    %add3A_122 = arith.addf %add3A_120, %slice3A_121 : vector<56x41xf32>
    %slice3A_123 = vector.extract_strided_slice %reduce_sum3A_5 {offsets = [0, 12], sizes = [56, 41], strides = [1, 1]} : vector<56x56xf32> to vector<56x41xf32>
    %add3A_124 = arith.addf %add3A_122, %slice3A_123 : vector<56x41xf32>
    %slice3A_125 = vector.extract_strided_slice %reduce_sum3A_5 {offsets = [0, 13], sizes = [56, 41], strides = [1, 1]} : vector<56x56xf32> to vector<56x41xf32>
    %add3A_126 = arith.addf %add3A_124, %slice3A_125 : vector<56x41xf32>
    %slice3A_127 = vector.extract_strided_slice %reduce_sum3A_5 {offsets = [0, 14], sizes = [56, 41], strides = [1, 1]} : vector<56x56xf32> to vector<56x41xf32>
    %add3A_128 = arith.addf %add3A_126, %slice3A_127 : vector<56x41xf32>
    %slice3A_129 = vector.extract_strided_slice %reduce_sum3A_5 {offsets = [0, 15], sizes = [56, 41], strides = [1, 1]} : vector<56x56xf32> to vector<56x41xf32>
    %add3A_130 = arith.addf %add3A_128, %slice3A_129 : vector<56x41xf32>
    %slice3A_131 = vector.extract_strided_slice %add3A_130 {offsets = [0, 0], sizes = [41, 41], strides = [1, 1]} : vector<56x41xf32> to vector<41x41xf32>
    %slice3A_132 = vector.extract_strided_slice %add3A_130 {offsets = [1, 0], sizes = [41, 41], strides = [1, 1]} : vector<56x41xf32> to vector<41x41xf32>
    %add3A_133 = arith.addf %slice3A_131, %slice3A_132 : vector<41x41xf32>
    %slice3A_134 = vector.extract_strided_slice %add3A_130 {offsets = [2, 0], sizes = [41, 41], strides = [1, 1]} : vector<56x41xf32> to vector<41x41xf32>
    %add3A_135 = arith.addf %add3A_133, %slice3A_134 : vector<41x41xf32>
    %slice3A_136 = vector.extract_strided_slice %add3A_130 {offsets = [3, 0], sizes = [41, 41], strides = [1, 1]} : vector<56x41xf32> to vector<41x41xf32>
    %add3A_137 = arith.addf %add3A_135, %slice3A_136 : vector<41x41xf32>
    %slice3A_138 = vector.extract_strided_slice %add3A_130 {offsets = [4, 0], sizes = [41, 41], strides = [1, 1]} : vector<56x41xf32> to vector<41x41xf32>
    %add3A_139 = arith.addf %add3A_137, %slice3A_138 : vector<41x41xf32>
    %slice3A_140 = vector.extract_strided_slice %add3A_130 {offsets = [5, 0], sizes = [41, 41], strides = [1, 1]} : vector<56x41xf32> to vector<41x41xf32>
    %add3A_141 = arith.addf %add3A_139, %slice3A_140 : vector<41x41xf32>
    %slice3A_142 = vector.extract_strided_slice %add3A_130 {offsets = [6, 0], sizes = [41, 41], strides = [1, 1]} : vector<56x41xf32> to vector<41x41xf32>
    %add3A_143 = arith.addf %add3A_141, %slice3A_142 : vector<41x41xf32>
    %slice3A_144 = vector.extract_strided_slice %add3A_130 {offsets = [7, 0], sizes = [41, 41], strides = [1, 1]} : vector<56x41xf32> to vector<41x41xf32>
    %add3A_145 = arith.addf %add3A_143, %slice3A_144 : vector<41x41xf32>
    %slice3A_146 = vector.extract_strided_slice %add3A_130 {offsets = [8, 0], sizes = [41, 41], strides = [1, 1]} : vector<56x41xf32> to vector<41x41xf32>
    %add3A_147 = arith.addf %add3A_145, %slice3A_146 : vector<41x41xf32>
    %slice3A_148 = vector.extract_strided_slice %add3A_130 {offsets = [9, 0], sizes = [41, 41], strides = [1, 1]} : vector<56x41xf32> to vector<41x41xf32>
    %add3A_149 = arith.addf %add3A_147, %slice3A_148 : vector<41x41xf32>
    %slice3A_150 = vector.extract_strided_slice %add3A_130 {offsets = [10, 0], sizes = [41, 41], strides = [1, 1]} : vector<56x41xf32> to vector<41x41xf32>
    %add3A_151 = arith.addf %add3A_149, %slice3A_150 : vector<41x41xf32>
    %slice3A_152 = vector.extract_strided_slice %add3A_130 {offsets = [11, 0], sizes = [41, 41], strides = [1, 1]} : vector<56x41xf32> to vector<41x41xf32>
    %add3A_153 = arith.addf %add3A_151, %slice3A_152 : vector<41x41xf32>
    %slice3A_154 = vector.extract_strided_slice %add3A_130 {offsets = [12, 0], sizes = [41, 41], strides = [1, 1]} : vector<56x41xf32> to vector<41x41xf32>
    %add3A_155 = arith.addf %add3A_153, %slice3A_154 : vector<41x41xf32>
    %slice3A_156 = vector.extract_strided_slice %add3A_130 {offsets = [13, 0], sizes = [41, 41], strides = [1, 1]} : vector<56x41xf32> to vector<41x41xf32>
    %add3A_157 = arith.addf %add3A_155, %slice3A_156 : vector<41x41xf32>
    %slice3A_158 = vector.extract_strided_slice %add3A_130 {offsets = [14, 0], sizes = [41, 41], strides = [1, 1]} : vector<56x41xf32> to vector<41x41xf32>
    %add3A_159 = arith.addf %add3A_157, %slice3A_158 : vector<41x41xf32>
    %slice3A_160 = vector.extract_strided_slice %add3A_130 {offsets = [15, 0], sizes = [41, 41], strides = [1, 1]} : vector<56x41xf32> to vector<41x41xf32>
    %add3A_161 = arith.addf %add3A_159, %slice3A_160 : vector<41x41xf32>
    %div3A_162 = arith.constant 2.560000e+02 : f32
    %div3A_163 = vector.broadcast %div3A_162 : f32 to vector<41x41xf32>
    %div3A_164 = arith.divf %add3A_161, %div3A_163 : vector<41x41xf32>
    %broadcast_in_dim3A_165 = arith.constant 0xFF800000 : f32
    %broadcast_in_dim3A_166 = vector.broadcast %broadcast_in_dim3A_165 : f32 to vector<41x23xf32>
    %concatenate3A_167 = tpu.concatenate %div3A_164, %broadcast_in_dim3A_166 in 1 : vector<41x41xf32>, vector<41x23xf32> -> vector<41x64xf32>
    %swap3A_168 = arith.constant 0 : index
    %swap3A_169 = arith.constant 94 : index
    %swap3A_170 = arith.constant 0 : index
    %swap3A_171 = vector.load %arg2[%swap3A_168, %swap3A_169, %swap3A_170] : memref<2x135x64xf32, #tpu.memory_space<vmem>>, vector<1x41x64xf32>
    %swap3A_172 = vector.shape_cast %swap3A_171 : vector<1x41x64xf32> to vector<41x64xf32>
    %swap3A_173 = vector.shape_cast %concatenate3A_167 : vector<41x64xf32> to vector<1x41x64xf32>
    tpu.vector_store %arg2[%swap3A_168, %swap3A_169, %swap3A_170], %swap3A_173 {strides = array<i32>} : memref<2x135x64xf32, #tpu.memory_space<vmem>>, vector<1x41x64xf32>,
    %get3A_174 = arith.constant 1 : index
    %get3A_175 = arith.constant 0 : index
    %get3A_176 = arith.constant 0 : index
    %get3A_177 = arith.constant 0 : index
    %get3A_178 = vector.load %arg1[%get3A_174, %get3A_175, %get3A_176, %get3A_177] : memref<2x256x56x56xf32, #tpu.memory_space<vmem>>, vector<1x256x56x56xf32>
    %get3A_179 = vector.shape_cast %get3A_178 : vector<1x256x56x56xf32> to vector<256x56x56xf32>
    %reduce_sum3A_180 = arith.constant dense<0.000000e+00> : vector<56x56xf32>
    %reduce_sum3A_181 = vector.multi_reduction <add>, %get3A_179, %reduce_sum3A_180 [0] : vector<256x56x56xf32> to vector<56x56xf32>
    %slice3A_182 = vector.extract_strided_slice %reduce_sum3A_181 {offsets = [0, 0], sizes = [56, 49], strides = [1, 1]} : vector<56x56xf32> to vector<56x49xf32>
    %slice3A_183 = vector.extract_strided_slice %reduce_sum3A_181 {offsets = [0, 1], sizes = [56, 49], strides = [1, 1]} : vector<56x56xf32> to vector<56x49xf32>
    %add3A_184 = arith.addf %slice3A_182, %slice3A_183 : vector<56x49xf32>
    %slice3A_185 = vector.extract_strided_slice %reduce_sum3A_181 {offsets = [0, 2], sizes = [56, 49], strides = [1, 1]} : vector<56x56xf32> to vector<56x49xf32>
    %add3A_186 = arith.addf %add3A_184, %slice3A_185 : vector<56x49xf32>
    %slice3A_187 = vector.extract_strided_slice %reduce_sum3A_181 {offsets = [0, 3], sizes = [56, 49], strides = [1, 1]} : vector<56x56xf32> to vector<56x49xf32>
    %add3A_188 = arith.addf %add3A_186, %slice3A_187 : vector<56x49xf32>
    %slice3A_189 = vector.extract_strided_slice %reduce_sum3A_181 {offsets = [0, 4], sizes = [56, 49], strides = [1, 1]} : vector<56x56xf32> to vector<56x49xf32>
    %add3A_190 = arith.addf %add3A_188, %slice3A_189 : vector<56x49xf32>
    %slice3A_191 = vector.extract_strided_slice %reduce_sum3A_181 {offsets = [0, 5], sizes = [56, 49], strides = [1, 1]} : vector<56x56xf32> to vector<56x49xf32>
    %add3A_192 = arith.addf %add3A_190, %slice3A_191 : vector<56x49xf32>
    %slice3A_193 = vector.extract_strided_slice %reduce_sum3A_181 {offsets = [0, 6], sizes = [56, 49], strides = [1, 1]} : vector<56x56xf32> to vector<56x49xf32>
    %add3A_194 = arith.addf %add3A_192, %slice3A_193 : vector<56x49xf32>
    %slice3A_195 = vector.extract_strided_slice %reduce_sum3A_181 {offsets = [0, 7], sizes = [56, 49], strides = [1, 1]} : vector<56x56xf32> to vector<56x49xf32>
    %add3A_196 = arith.addf %add3A_194, %slice3A_195 : vector<56x49xf32>
    %slice3A_197 = vector.extract_strided_slice %add3A_196 {offsets = [0, 0], sizes = [49, 49], strides = [1, 1]} : vector<56x49xf32> to vector<49x49xf32>
    %slice3A_198 = vector.extract_strided_slice %add3A_196 {offsets = [1, 0], sizes = [49, 49], strides = [1, 1]} : vector<56x49xf32> to vector<49x49xf32>
    %add3A_199 = arith.addf %slice3A_197, %slice3A_198 : vector<49x49xf32>
    %slice3A_200 = vector.extract_strided_slice %add3A_196 {offsets = [2, 0], sizes = [49, 49], strides = [1, 1]} : vector<56x49xf32> to vector<49x49xf32>
    %add3A_201 = arith.addf %add3A_199, %slice3A_200 : vector<49x49xf32>
    %slice3A_202 = vector.extract_strided_slice %add3A_196 {offsets = [3, 0], sizes = [49, 49], strides = [1, 1]} : vector<56x49xf32> to vector<49x49xf32>
    %add3A_203 = arith.addf %add3A_201, %slice3A_202 : vector<49x49xf32>
    %slice3A_204 = vector.extract_strided_slice %add3A_196 {offsets = [4, 0], sizes = [49, 49], strides = [1, 1]} : vector<56x49xf32> to vector<49x49xf32>
    %add3A_205 = arith.addf %add3A_203, %slice3A_204 : vector<49x49xf32>
    %slice3A_206 = vector.extract_strided_slice %add3A_196 {offsets = [5, 0], sizes = [49, 49], strides = [1, 1]} : vector<56x49xf32> to vector<49x49xf32>
    %add3A_207 = arith.addf %add3A_205, %slice3A_206 : vector<49x49xf32>
    %slice3A_208 = vector.extract_strided_slice %add3A_196 {offsets = [6, 0], sizes = [49, 49], strides = [1, 1]} : vector<56x49xf32> to vector<49x49xf32>
    %add3A_209 = arith.addf %add3A_207, %slice3A_208 : vector<49x49xf32>
    %slice3A_210 = vector.extract_strided_slice %add3A_196 {offsets = [7, 0], sizes = [49, 49], strides = [1, 1]} : vector<56x49xf32> to vector<49x49xf32>
    %add3A_211 = arith.addf %add3A_209, %slice3A_210 : vector<49x49xf32>
    %div3A_212 = arith.constant 6.400000e+01 : f32
    %div3A_213 = vector.broadcast %div3A_212 : f32 to vector<49x49xf32>
    %div3A_214 = arith.divf %add3A_211, %div3A_213 : vector<49x49xf32>
    %broadcast_in_dim3A_215 = arith.constant 0xFF800000 : f32
    %broadcast_in_dim3A_216 = vector.broadcast %broadcast_in_dim3A_215 : f32 to vector<49x15xf32>
    %concatenate3A_217 = tpu.concatenate %div3A_214, %broadcast_in_dim3A_216 in 1 : vector<49x49xf32>, vector<49x15xf32> -> vector<49x64xf32>
    %swap3A_218 = arith.constant 1 : index
    %swap3A_219 = arith.constant 0 : index
    %swap3A_220 = arith.constant 0 : index
    %swap3A_221 = vector.load %arg2[%swap3A_218, %swap3A_219, %swap3A_220] : memref<2x135x64xf32, #tpu.memory_space<vmem>>, vector<1x49x64xf32>
    %swap3A_222 = vector.shape_cast %swap3A_221 : vector<1x49x64xf32> to vector<49x64xf32>
    %swap3A_223 = vector.shape_cast %concatenate3A_217 : vector<49x64xf32> to vector<1x49x64xf32>
    tpu.vector_store %arg2[%swap3A_218, %swap3A_219, %swap3A_220], %swap3A_223 {strides = array<i32>} : memref<2x135x64xf32, #tpu.memory_space<vmem>>, vector<1x49x64xf32>,
    %slice3A_224 = vector.extract_strided_slice %reduce_sum3A_181 {offsets = [0, 0], sizes = [56, 45], strides = [1, 1]} : vector<56x56xf32> to vector<56x45xf32>
    %slice3A_225 = vector.extract_strided_slice %reduce_sum3A_181 {offsets = [0, 1], sizes = [56, 45], strides = [1, 1]} : vector<56x56xf32> to vector<56x45xf32>
    %add3A_226 = arith.addf %slice3A_224, %slice3A_225 : vector<56x45xf32>
    %slice3A_227 = vector.extract_strided_slice %reduce_sum3A_181 {offsets = [0, 2], sizes = [56, 45], strides = [1, 1]} : vector<56x56xf32> to vector<56x45xf32>
    %add3A_228 = arith.addf %add3A_226, %slice3A_227 : vector<56x45xf32>
    %slice3A_229 = vector.extract_strided_slice %reduce_sum3A_181 {offsets = [0, 3], sizes = [56, 45], strides = [1, 1]} : vector<56x56xf32> to vector<56x45xf32>
    %add3A_230 = arith.addf %add3A_228, %slice3A_229 : vector<56x45xf32>
    %slice3A_231 = vector.extract_strided_slice %reduce_sum3A_181 {offsets = [0, 4], sizes = [56, 45], strides = [1, 1]} : vector<56x56xf32> to vector<56x45xf32>
    %add3A_232 = arith.addf %add3A_230, %slice3A_231 : vector<56x45xf32>
    %slice3A_233 = vector.extract_strided_slice %reduce_sum3A_181 {offsets = [0, 5], sizes = [56, 45], strides = [1, 1]} : vector<56x56xf32> to vector<56x45xf32>
    %add3A_234 = arith.addf %add3A_232, %slice3A_233 : vector<56x45xf32>
    %slice3A_235 = vector.extract_strided_slice %reduce_sum3A_181 {offsets = [0, 6], sizes = [56, 45], strides = [1, 1]} : vector<56x56xf32> to vector<56x45xf32>
    %add3A_236 = arith.addf %add3A_234, %slice3A_235 : vector<56x45xf32>
    %slice3A_237 = vector.extract_strided_slice %reduce_sum3A_181 {offsets = [0, 7], sizes = [56, 45], strides = [1, 1]} : vector<56x56xf32> to vector<56x45xf32>
    %add3A_238 = arith.addf %add3A_236, %slice3A_237 : vector<56x45xf32>
    %slice3A_239 = vector.extract_strided_slice %reduce_sum3A_181 {offsets = [0, 8], sizes = [56, 45], strides = [1, 1]} : vector<56x56xf32> to vector<56x45xf32>
    %add3A_240 = arith.addf %add3A_238, %slice3A_239 : vector<56x45xf32>
    %slice3A_241 = vector.extract_strided_slice %reduce_sum3A_181 {offsets = [0, 9], sizes = [56, 45], strides = [1, 1]} : vector<56x56xf32> to vector<56x45xf32>
    %add3A_242 = arith.addf %add3A_240, %slice3A_241 : vector<56x45xf32>
    %slice3A_243 = vector.extract_strided_slice %reduce_sum3A_181 {offsets = [0, 10], sizes = [56, 45], strides = [1, 1]} : vector<56x56xf32> to vector<56x45xf32>
    %add3A_244 = arith.addf %add3A_242, %slice3A_243 : vector<56x45xf32>
    %slice3A_245 = vector.extract_strided_slice %reduce_sum3A_181 {offsets = [0, 11], sizes = [56, 45], strides = [1, 1]} : vector<56x56xf32> to vector<56x45xf32>
    %add3A_246 = arith.addf %add3A_244, %slice3A_245 : vector<56x45xf32>
    %slice3A_247 = vector.extract_strided_slice %add3A_246 {offsets = [0, 0], sizes = [45, 45], strides = [1, 1]} : vector<56x45xf32> to vector<45x45xf32>
    %slice3A_248 = vector.extract_strided_slice %add3A_246 {offsets = [1, 0], sizes = [45, 45], strides = [1, 1]} : vector<56x45xf32> to vector<45x45xf32>
    %add3A_249 = arith.addf %slice3A_247, %slice3A_248 : vector<45x45xf32>
    %slice3A_250 = vector.extract_strided_slice %add3A_246 {offsets = [2, 0], sizes = [45, 45], strides = [1, 1]} : vector<56x45xf32> to vector<45x45xf32>
    %add3A_251 = arith.addf %add3A_249, %slice3A_250 : vector<45x45xf32>
    %slice3A_252 = vector.extract_strided_slice %add3A_246 {offsets = [3, 0], sizes = [45, 45], strides = [1, 1]} : vector<56x45xf32> to vector<45x45xf32>
    %add3A_253 = arith.addf %add3A_251, %slice3A_252 : vector<45x45xf32>
    %slice3A_254 = vector.extract_strided_slice %add3A_246 {offsets = [4, 0], sizes = [45, 45], strides = [1, 1]} : vector<56x45xf32> to vector<45x45xf32>
    %add3A_255 = arith.addf %add3A_253, %slice3A_254 : vector<45x45xf32>
    %slice3A_256 = vector.extract_strided_slice %add3A_246 {offsets = [5, 0], sizes = [45, 45], strides = [1, 1]} : vector<56x45xf32> to vector<45x45xf32>
    %add3A_257 = arith.addf %add3A_255, %slice3A_256 : vector<45x45xf32>
    %slice3A_258 = vector.extract_strided_slice %add3A_246 {offsets = [6, 0], sizes = [45, 45], strides = [1, 1]} : vector<56x45xf32> to vector<45x45xf32>
    %add3A_259 = arith.addf %add3A_257, %slice3A_258 : vector<45x45xf32>
    %slice3A_260 = vector.extract_strided_slice %add3A_246 {offsets = [7, 0], sizes = [45, 45], strides = [1, 1]} : vector<56x45xf32> to vector<45x45xf32>
    %add3A_261 = arith.addf %add3A_259, %slice3A_260 : vector<45x45xf32>
    %slice3A_262 = vector.extract_strided_slice %add3A_246 {offsets = [8, 0], sizes = [45, 45], strides = [1, 1]} : vector<56x45xf32> to vector<45x45xf32>
    %add3A_263 = arith.addf %add3A_261, %slice3A_262 : vector<45x45xf32>
    %slice3A_264 = vector.extract_strided_slice %add3A_246 {offsets = [9, 0], sizes = [45, 45], strides = [1, 1]} : vector<56x45xf32> to vector<45x45xf32>
    %add3A_265 = arith.addf %add3A_263, %slice3A_264 : vector<45x45xf32>
    %slice3A_266 = vector.extract_strided_slice %add3A_246 {offsets = [10, 0], sizes = [45, 45], strides = [1, 1]} : vector<56x45xf32> to vector<45x45xf32>
    %add3A_267 = arith.addf %add3A_265, %slice3A_266 : vector<45x45xf32>
    %slice3A_268 = vector.extract_strided_slice %add3A_246 {offsets = [11, 0], sizes = [45, 45], strides = [1, 1]} : vector<56x45xf32> to vector<45x45xf32>
    %add3A_269 = arith.addf %add3A_267, %slice3A_268 : vector<45x45xf32>
    %div3A_270 = arith.constant 1.440000e+02 : f32
    %div3A_271 = vector.broadcast %div3A_270 : f32 to vector<45x45xf32>
    %div3A_272 = arith.divf %add3A_269, %div3A_271 : vector<45x45xf32>
    %broadcast_in_dim3A_273 = arith.constant 0xFF800000 : f32
    %broadcast_in_dim3A_274 = vector.broadcast %broadcast_in_dim3A_273 : f32 to vector<45x19xf32>
    %concatenate3A_275 = tpu.concatenate %div3A_272, %broadcast_in_dim3A_274 in 1 : vector<45x45xf32>, vector<45x19xf32> -> vector<45x64xf32>
    %swap3A_276 = arith.constant 1 : index
    %swap3A_277 = arith.constant 49 : index
    %swap3A_278 = arith.constant 0 : index
    %swap3A_279 = vector.load %arg2[%swap3A_276, %swap3A_277, %swap3A_278] : memref<2x135x64xf32, #tpu.memory_space<vmem>>, vector<1x45x64xf32>
    %swap3A_280 = vector.shape_cast %swap3A_279 : vector<1x45x64xf32> to vector<45x64xf32>
    %swap3A_281 = vector.shape_cast %concatenate3A_275 : vector<45x64xf32> to vector<1x45x64xf32>
    tpu.vector_store %arg2[%swap3A_276, %swap3A_277, %swap3A_278], %swap3A_281 {strides = array<i32>} : memref<2x135x64xf32, #tpu.memory_space<vmem>>, vector<1x45x64xf32>,
    %slice3A_282 = vector.extract_strided_slice %reduce_sum3A_181 {offsets = [0, 0], sizes = [56, 41], strides = [1, 1]} : vector<56x56xf32> to vector<56x41xf32>
    %slice3A_283 = vector.extract_strided_slice %reduce_sum3A_181 {offsets = [0, 1], sizes = [56, 41], strides = [1, 1]} : vector<56x56xf32> to vector<56x41xf32>
    %add3A_284 = arith.addf %slice3A_282, %slice3A_283 : vector<56x41xf32>
    %slice3A_285 = vector.extract_strided_slice %reduce_sum3A_181 {offsets = [0, 2], sizes = [56, 41], strides = [1, 1]} : vector<56x56xf32> to vector<56x41xf32>
    %add3A_286 = arith.addf %add3A_284, %slice3A_285 : vector<56x41xf32>
    %slice3A_287 = vector.extract_strided_slice %reduce_sum3A_181 {offsets = [0, 3], sizes = [56, 41], strides = [1, 1]} : vector<56x56xf32> to vector<56x41xf32>
    %add3A_288 = arith.addf %add3A_286, %slice3A_287 : vector<56x41xf32>
    %slice3A_289 = vector.extract_strided_slice %reduce_sum3A_181 {offsets = [0, 4], sizes = [56, 41], strides = [1, 1]} : vector<56x56xf32> to vector<56x41xf32>
    %add3A_290 = arith.addf %add3A_288, %slice3A_289 : vector<56x41xf32>
    %slice3A_291 = vector.extract_strided_slice %reduce_sum3A_181 {offsets = [0, 5], sizes = [56, 41], strides = [1, 1]} : vector<56x56xf32> to vector<56x41xf32>
    %add3A_292 = arith.addf %add3A_290, %slice3A_291 : vector<56x41xf32>
    %slice3A_293 = vector.extract_strided_slice %reduce_sum3A_181 {offsets = [0, 6], sizes = [56, 41], strides = [1, 1]} : vector<56x56xf32> to vector<56x41xf32>
    %add3A_294 = arith.addf %add3A_292, %slice3A_293 : vector<56x41xf32>
    %slice3A_295 = vector.extract_strided_slice %reduce_sum3A_181 {offsets = [0, 7], sizes = [56, 41], strides = [1, 1]} : vector<56x56xf32> to vector<56x41xf32>
    %add3A_296 = arith.addf %add3A_294, %slice3A_295 : vector<56x41xf32>
    %slice3A_297 = vector.extract_strided_slice %reduce_sum3A_181 {offsets = [0, 8], sizes = [56, 41], strides = [1, 1]} : vector<56x56xf32> to vector<56x41xf32>
    %add3A_298 = arith.addf %add3A_296, %slice3A_297 : vector<56x41xf32>
    %slice3A_299 = vector.extract_strided_slice %reduce_sum3A_181 {offsets = [0, 9], sizes = [56, 41], strides = [1, 1]} : vector<56x56xf32> to vector<56x41xf32>
    %add3A_300 = arith.addf %add3A_298, %slice3A_299 : vector<56x41xf32>
    %slice3A_301 = vector.extract_strided_slice %reduce_sum3A_181 {offsets = [0, 10], sizes = [56, 41], strides = [1, 1]} : vector<56x56xf32> to vector<56x41xf32>
    %add3A_302 = arith.addf %add3A_300, %slice3A_301 : vector<56x41xf32>
    %slice3A_303 = vector.extract_strided_slice %reduce_sum3A_181 {offsets = [0, 11], sizes = [56, 41], strides = [1, 1]} : vector<56x56xf32> to vector<56x41xf32>
    %add3A_304 = arith.addf %add3A_302, %slice3A_303 : vector<56x41xf32>
    %slice3A_305 = vector.extract_strided_slice %reduce_sum3A_181 {offsets = [0, 12], sizes = [56, 41], strides = [1, 1]} : vector<56x56xf32> to vector<56x41xf32>
    %add3A_306 = arith.addf %add3A_304, %slice3A_305 : vector<56x41xf32>
    %slice3A_307 = vector.extract_strided_slice %reduce_sum3A_181 {offsets = [0, 13], sizes = [56, 41], strides = [1, 1]} : vector<56x56xf32> to vector<56x41xf32>
    %add3A_308 = arith.addf %add3A_306, %slice3A_307 : vector<56x41xf32>
    %slice3A_309 = vector.extract_strided_slice %reduce_sum3A_181 {offsets = [0, 14], sizes = [56, 41], strides = [1, 1]} : vector<56x56xf32> to vector<56x41xf32>
    %add3A_310 = arith.addf %add3A_308, %slice3A_309 : vector<56x41xf32>
    %slice3A_311 = vector.extract_strided_slice %reduce_sum3A_181 {offsets = [0, 15], sizes = [56, 41], strides = [1, 1]} : vector<56x56xf32> to vector<56x41xf32>
    %add3A_312 = arith.addf %add3A_310, %slice3A_311 : vector<56x41xf32>
    %slice3A_313 = vector.extract_strided_slice %add3A_312 {offsets = [0, 0], sizes = [41, 41], strides = [1, 1]} : vector<56x41xf32> to vector<41x41xf32>
    %slice3A_314 = vector.extract_strided_slice %add3A_312 {offsets = [1, 0], sizes = [41, 41], strides = [1, 1]} : vector<56x41xf32> to vector<41x41xf32>
    %add3A_315 = arith.addf %slice3A_313, %slice3A_314 : vector<41x41xf32>
    %slice3A_316 = vector.extract_strided_slice %add3A_312 {offsets = [2, 0], sizes = [41, 41], strides = [1, 1]} : vector<56x41xf32> to vector<41x41xf32>
    %add3A_317 = arith.addf %add3A_315, %slice3A_316 : vector<41x41xf32>
    %slice3A_318 = vector.extract_strided_slice %add3A_312 {offsets = [3, 0], sizes = [41, 41], strides = [1, 1]} : vector<56x41xf32> to vector<41x41xf32>
    %add3A_319 = arith.addf %add3A_317, %slice3A_318 : vector<41x41xf32>
    %slice3A_320 = vector.extract_strided_slice %add3A_312 {offsets = [4, 0], sizes = [41, 41], strides = [1, 1]} : vector<56x41xf32> to vector<41x41xf32>
    %add3A_321 = arith.addf %add3A_319, %slice3A_320 : vector<41x41xf32>
    %slice3A_322 = vector.extract_strided_slice %add3A_312 {offsets = [5, 0], sizes = [41, 41], strides = [1, 1]} : vector<56x41xf32> to vector<41x41xf32>
    %add3A_323 = arith.addf %add3A_321, %slice3A_322 : vector<41x41xf32>
    %slice3A_324 = vector.extract_strided_slice %add3A_312 {offsets = [6, 0], sizes = [41, 41], strides = [1, 1]} : vector<56x41xf32> to vector<41x41xf32>
    %add3A_325 = arith.addf %add3A_323, %slice3A_324 : vector<41x41xf32>
    %slice3A_326 = vector.extract_strided_slice %add3A_312 {offsets = [7, 0], sizes = [41, 41], strides = [1, 1]} : vector<56x41xf32> to vector<41x41xf32>
    %add3A_327 = arith.addf %add3A_325, %slice3A_326 : vector<41x41xf32>
    %slice3A_328 = vector.extract_strided_slice %add3A_312 {offsets = [8, 0], sizes = [41, 41], strides = [1, 1]} : vector<56x41xf32> to vector<41x41xf32>
    %add3A_329 = arith.addf %add3A_327, %slice3A_328 : vector<41x41xf32>
    %slice3A_330 = vector.extract_strided_slice %add3A_312 {offsets = [9, 0], sizes = [41, 41], strides = [1, 1]} : vector<56x41xf32> to vector<41x41xf32>
    %add3A_331 = arith.addf %add3A_329, %slice3A_330 : vector<41x41xf32>
    %slice3A_332 = vector.extract_strided_slice %add3A_312 {offsets = [10, 0], sizes = [41, 41], strides = [1, 1]} : vector<56x41xf32> to vector<41x41xf32>
    %add3A_333 = arith.addf %add3A_331, %slice3A_332 : vector<41x41xf32>
    %slice3A_334 = vector.extract_strided_slice %add3A_312 {offsets = [11, 0], sizes = [41, 41], strides = [1, 1]} : vector<56x41xf32> to vector<41x41xf32>
    %add3A_335 = arith.addf %add3A_333, %slice3A_334 : vector<41x41xf32>
    %slice3A_336 = vector.extract_strided_slice %add3A_312 {offsets = [12, 0], sizes = [41, 41], strides = [1, 1]} : vector<56x41xf32> to vector<41x41xf32>
    %add3A_337 = arith.addf %add3A_335, %slice3A_336 : vector<41x41xf32>
    %slice3A_338 = vector.extract_strided_slice %add3A_312 {offsets = [13, 0], sizes = [41, 41], strides = [1, 1]} : vector<56x41xf32> to vector<41x41xf32>
    %add3A_339 = arith.addf %add3A_337, %slice3A_338 : vector<41x41xf32>
    %slice3A_340 = vector.extract_strided_slice %add3A_312 {offsets = [14, 0], sizes = [41, 41], strides = [1, 1]} : vector<56x41xf32> to vector<41x41xf32>
    %add3A_341 = arith.addf %add3A_339, %slice3A_340 : vector<41x41xf32>
    %slice3A_342 = vector.extract_strided_slice %add3A_312 {offsets = [15, 0], sizes = [41, 41], strides = [1, 1]} : vector<56x41xf32> to vector<41x41xf32>
    %add3A_343 = arith.addf %add3A_341, %slice3A_342 : vector<41x41xf32>
    %div3A_344 = arith.constant 2.560000e+02 : f32
    %div3A_345 = vector.broadcast %div3A_344 : f32 to vector<41x41xf32>
    %div3A_346 = arith.divf %add3A_343, %div3A_345 : vector<41x41xf32>
    %broadcast_in_dim3A_347 = arith.constant 0xFF800000 : f32
    %broadcast_in_dim3A_348 = vector.broadcast %broadcast_in_dim3A_347 : f32 to vector<41x23xf32>
    %concatenate3A_349 = tpu.concatenate %div3A_346, %broadcast_in_dim3A_348 in 1 : vector<41x41xf32>, vector<41x23xf32> -> vector<41x64xf32>
    %swap3A_350 = arith.constant 1 : index
    %swap3A_351 = arith.constant 94 : index
    %swap3A_352 = arith.constant 0 : index
    %swap3A_353 = vector.load %arg2[%swap3A_350, %swap3A_351, %swap3A_352] : memref<2x135x64xf32, #tpu.memory_space<vmem>>, vector<1x41x64xf32>
    %swap3A_354 = vector.shape_cast %swap3A_353 : vector<1x41x64xf32> to vector<41x64xf32>
    %swap3A_355 = vector.shape_cast %concatenate3A_349 : vector<41x64xf32> to vector<1x41x64xf32>
    tpu.vector_store %arg2[%swap3A_350, %swap3A_351, %swap3A_352], %swap3A_355 {strides = array<i32>} : memref<2x135x64xf32, #tpu.memory_space<vmem>>, vector<1x41x64xf32>,
    return
  }
  func.func @transform_0(%arg0: i32) -> (i32, i32, i32, i32) {
    %c0_i32 = arith.constant 0 : i32
    %c0_i32_0 = arith.constant 0 : i32
    %c0_i32_1 = arith.constant 0 : i32
    %c0_i32_2 = arith.constant 0 : i32
    return %arg0, %c0_i32, %c0_i32_0, %c0_i32_1 : i32, i32, i32, i32
  }
  func.func @transform_1(%arg0: i32) -> (i32, i32, i32) {
    %c0_i32 = arith.constant 0 : i32
    %c0_i32_0 = arith.constant 0 : i32
    %c0_i32_1 = arith.constant 0 : i32
    return %arg0, %c0_i32, %c0_i32_0 : i32, i32, i32
  }
}

</mosaic_0001>

<sc_bundles>
// kernel: kernel.4.cloned.1.call-start
scs
__scs_entry_jumppad:
0x0: {  	(pc) =	sbr.rel $0x88, $3  }
0x1: {  	(tag) =	ssettag $0x0;
	lr =	simm.s32 $0x1  }
0x2: {  	[smem:$0x3FA0] =	sst lr;
	_ =	strace $0xD0000000  }
0x3: {  	_ = 	snop  }
0x4: {  	_ = 	snop  }
0x5: {  	_ = 	snop  }
0x6: {  	_ = 	snop  }
0x7: {  	_ = 	snop  }
__scs_overlays_trampoline_lowered:
0x8: {  	[smem:$0x3FAF] =	sst s0  }
0x9: {  	[smem:$0x3FB0] =	sst s1  }
0xa: {  	[smem:$0x3FB1] =	sst s2  }
0xb: {  	[smem:$0x3FB2] =	sst s3  }
0xc: {  	[smem:$0x3FB3] =	sst s4  }
0xd: {  	[smem:$0x3FB4] =	sst s5  }
0xe: {  	[smem:$0x3FB5] =	sst s6  }
0xf: {  	[smem:$0x3FB6] =	sst s7  }
0x10: {  	[smem:$0x3FB7] =	sst s8  }
0x11: {  	[smem:$0x3FB8] =	sst s9;
	s0 =	simm.s32 @!p0 $0x0  }
0x12: {  	s1 =	sld [smem:$0x3F9E];
	s0 =	simm.s32 @p0 $0x1  }
0x13: {  	[smem:$0x3FB9] =	sst s0;
	s0 =	simm.s32 @!p1 $0x0  }
0x14: {  	s2 =	sld [smem:$0x3F9D];
	s0 =	simm.s32 @p1 $0x1  }
0x15: {  	[smem:$0x3FBA] =	sst s0;
	s0 =	simm.s32 @!p2 $0x0  }
0x16: {  	s3 =	sld [smem:$0x3FDB];
	s0 =	simm.s32 @p2 $0x1  }
0x17: {  	s4 =	simm.s32 $0x1BF5;
	[smem:$0x3FBC] =	sst s0  }
0x18: {  	s0 =	sld [smem:$0x3F9F];
	_ =	swait.ge [sflag:s4], $0x0  }
0x19: {  	s7 =	sld [smem:$0x3FA0]  }
0x1a: {  	s8 =	sadd.s32 $0xFFFFE003, lr  }
0x1b: {  	s9 =	sadd.s32 $0xFFFFFEF7, lr;
	s5 =	simm.s32 $0xFFFFFFFF;
	p2 =	slt.u32 s8, $0xFFFFF086  }
0x1c: {  	p1 =	slt.u32 s9, $0xF7A;
	s5 =	simm.s32 @!p2 $0x0  }
0x1d: {  	s5 =	simm.s32 @p1 $0x1;
	p0 =	seq.s32 s7, s2  }
0x1e: {  	s7 =	smul.u32 @!p0 $0xF7A, s2;
	p2 =	seq.s32 @!p0 s5, $0x0  }
0x1f: {  	s9 =	smul.u32 $0xF7A, s1;
	s8 =	simm.s32 @!p0 $0x1BF5;
	p2 =	por !p2, p0  }
0x20: {  	[sflag:s8] =	ssyncset.s32 @!p0 $0xFFFFF086;
	s6 =	sadd.s32 @!p0 s3, s7;
	s7 =	simm.s32 @!p0 $0x108  }
0x21: {  	s3 =	sadd.s32 s3, s9;
	s6 =	sadd.s32 @!p0 $0x88, s6;
	s7 =	simm.s32 @p2 $0x1082  }
0x22: {  	[simem:s7], [sflag:s8] =	dma.local @!p0 [hbm:s6], $0xF7A  }
0x23: {  	s9 =	sor.u32 $0xD0000000, s2;
	s6 =	simm.s32 $0x108;
	_ =	swait.ge @!p0 [sflag:s8], $0x0  }
0x24: {  	s3 =	sadd.s32 $0x88, s3;
	s6 =	simm.s32 @!p1 $0x1082;
	[sflag:s4] =	ssyncset.s32 $0xFFFFF086  }
0x25: {  	[simem:s6], [sflag:s4] =	dma.local [hbm:s3], $0xF7A  }
0x26: {  	[smem:$0x3FA0] =	sst s1;
	(tag) =	ssettag s2;
	_ =	strace s9  }
0x27: {  	s1 =	sld [smem:$0x3FB0]  }
0x28: {  	s2 =	sld [smem:$0x3FB1]  }
0x29: {  	s4 =	sld [smem:$0x3FB3]  }
0x2a: {  	p0 =	seq.s32 s5, $0x0;
	s5 =	sld [smem:$0x3FB4]  }
0x2b: {  	s6 =	sld [smem:$0x3FB5]  }
0x2c: {  	s7 =	sld [smem:$0x3FB6]  }
0x2d: {  	s3 =	simm.s32 $0x108;
	s8 =	sld [smem:$0x3FB7]  }
0x2e: {  	s3 =	simm.s32 @!p0 $0x1082;
	s9 =	sld [smem:$0x3FB8]  }
0x2f: {  	lr =	sadd.s32 s0, s3;
	s0 =	sld [smem:$0x3FAF]  }
0x30: {  	s3 =	sld [smem:$0x3FB2]  }
0x31: {  	[smem:$0x3FBB] =	sst s10  }
0x32: {  	s10 =	sld [smem:$0x3FB9];
	_ =	sdelay $0x3  }
0x33: {  	p0 =	seq.s32 s10, $0x1;
	s10 =	sld [smem:$0x3FBB];
	_ =	sdelay $0x3  }
0x34: {  	[smem:$0x3FBB] =	sst s10  }
0x35: {  	s10 =	sld [smem:$0x3FBA];
	_ =	sdelay $0x3  }
0x36: {  	p1 =	seq.s32 s10, $0x1;
	s10 =	sld [smem:$0x3FBB];
	_ =	sdelay $0x3  }
0x37: {  	[smem:$0x3FBB] =	sst s10  }
0x38: {  	s10 =	sld [smem:$0x3FBC]  }
0x39: {  	_ = 	snop;
	(pc) =	sbr.ind lr, $3  }
0x3a: {  	_ = 	snop  }
0x3b: {  	_ = 	snop  }
0x3c: {  	p2 =	seq.s32 s10, $0x1;
	s10 =	sld [smem:$0x3FBB]  }
0x3d: {  	_ =	shalt  }
0x3e: {  	_ =	shalt  }
0x3f: {  	_ =	shalt  }
0x40: {  	_ =	shalt  }
0x41: {  	_ =	shalt  }
0x42: {  	_ =	shalt  }
0x43: {  	_ =	shalt  }
0x44: {  	_ =	shalt  }
0x45: {  	_ =	shalt  }
0x46: {  	_ =	shalt  }
0x47: {  	_ =	shalt  }
0x48: {  	_ =	shalt  }
0x49: {  	_ =	shalt  }
0x4a: {  	_ =	shalt  }
0x4b: {  	_ =	shalt  }
0x4c: {  	_ =	shalt  }
0x4d: {  	_ =	shalt  }
0x4e: {  	_ =	shalt  }
0x4f: {  	_ =	shalt  }
0x50: {  	_ =	shalt  }
0x51: {  	_ =	shalt  }
0x52: {  	_ =	shalt  }
0x53: {  	_ =	shalt  }
0x54: {  	_ =	shalt  }
0x55: {  	_ =	shalt  }
0x56: {  	_ =	shalt  }
0x57: {  	_ =	shalt  }
0x58: {  	_ =	shalt  }
0x59: {  	_ =	shalt  }
0x5a: {  	_ =	shalt  }
0x5b: {  	_ =	shalt  }
0x5c: {  	_ =	shalt  }
0x5d: {  	_ =	shalt  }
0x5e: {  	_ =	shalt  }
0x5f: {  	_ =	shalt  }
0x60: {  	_ =	shalt  }
0x61: {  	_ =	shalt  }
0x62: {  	_ =	shalt  }
0x63: {  	_ =	shalt  }
0x64: {  	_ =	shalt  }
0x65: {  	_ =	shalt  }
0x66: {  	_ =	shalt  }
0x67: {  	_ =	shalt  }
0x68: {  	_ =	shalt  }
0x69: {  	_ =	shalt  }
0x6a: {  	_ =	shalt  }
0x6b: {  	_ =	shalt  }
0x6c: {  	_ =	shalt  }
0x6d: {  	_ =	shalt  }
0x6e: {  	_ =	shalt  }
0x6f: {  	_ =	shalt  }
0x70: {  	_ =	shalt  }
0x71: {  	_ =	shalt  }
0x72: {  	_ =	shalt  }
0x73: {  	_ =	shalt  }
0x74: {  	_ =	shalt  }
0x75: {  	_ =	shalt  }
0x76: {  	_ =	shalt  }
0x77: {  	_ =	shalt  }
0x78: {  	_ =	shalt  }
0x79: {  	_ =	shalt  }
0x7a: {  	_ =	shalt  }
0x7b: {  	_ =	shalt  }
0x7c: {  	_ =	shalt  }
0x7d: {  	_ =	shalt  }
0x7e: {  	_ =	shalt  }
0x7f: {  	_ =	shalt  }
0x80: {  	_ =	shalt  }
0x81: {  	_ =	shalt  }
0x82: {  	_ =	shalt  }
0x83: {  	_ =	shalt  }
0x84: {  	_ =	shalt  }
0x85: {  	_ =	shalt  }
0x86: {  	_ =	shalt  }
0x87: {  	_ =	shalt  }
.Lfunc_end0:
.L_simem_size_0:
called_computation_lowered:
.L_overlay_start_0:
0x88: {  	s2 =	sld [smem:$0x3FD9]  }
0x89: {  	s3 =	sld [smem:$0x3FFE];
	_ =	sdelay $0x1  }
0x8a: {  	s1 =	srdreg.scid  }
0x8b: {  	s0 =	sand.u32 $0x1, s1  }
0x8c: {  	s14 =	sshll.u32 s0, $0xA;
	s2 =	sadd.s32 s3, s2  }
0x8d: {  	s2 =	sadd.s32 s2, s14  }
0x8e: {  	[smem:$0x3FC7] =	sst s2  }
0x8f: {  	_ = 	snop  }
0x90: {  	s2 =	sld [smem:$0x3FD0];
	_ =	sdelay $0x2  }
0x91: {  	s15 =	simm.s32 $0xA;
	s4 =	simm.s32 $0x10  }
0x92: {  	[smem:s4], [sflag:s15] =	dma.local [hbm:s2], $0x1  }
0x93: {  	_ =	swait.eq [sflag:s15], $0x1  }
0x94: {  	[sflag:s15] =	ssyncset.done $0x0  }
0x95: {  	s16 =	sld [smem:$0x10];
	[sflag:s15] =	ssyncadd.s32 $0xFFFFFFFF  }
0x96: {  	s17 =	sld [smem:$0x11];
	(tm) =	ssettm $0x1  }
0x97: {  	s18 =	sld [smem:$0x3FFB];
	_ =	sdelay $0x3  }
0x98: {  	_ =	strace s18  }
0x99: {  	s4 =	sld [smem:$0x3FFC];
	_ =	sdelay $0x3  }
0x9a: {  	_ =	strace s4  }
0x9b: {  	s4 =	sld [smem:$0x3FFD];
	_ =	sdelay $0x3  }
0x9c: {  	_ =	strace s4  }
0x9d: {  	_ =	strace $0x8FFFFFFF  }
0x9e: {  	s19 =	sld [smem:$0x3FDB];
	_ =	sdelay $0x1  }
0x9f: {  	s5 =	simm.s32 $_scs_section_size  }
0xa0: {  	s6 =	simm.s32 $_size__tile_overlayer_lowered;
	s7 =	simm.s32 $_tile_overlayer_lowered  }
0xa1: {  	s22 =	simm.s32 $0x1BFF;
	s21 =	sshll.u32 s7, $0x1;
	s4 =	sadd.s32 s5, s19  }
0xa2: {  	s8 =	simm.s32 $0x0;
	s20 =	sshll.u32 s6, $0x1;
	s6 =	sadd.s32 s21, s4  }
0xa3: {  	[timem:s8], [sflag:s22] =	dma.local [hbm:s6], s20  }
0xa4: {  	_ =	swait.ge [sflag:s22], s20  }
0xa5: {  	s5 =	ssub.s32 $0x0, s20;
	[sflag:s22] =	ssyncset.done $0x0  }
0xa6: {  	[sflag:s22] =	ssyncadd.s32 s5;
	_ =	sdelay $0x1  }
0xa7: {  	s23 =	simm.s32 $0x1B8B  }
0xa8: {  	_ =	swait.ge [sflag:s23], $0x1  }
0xa9: {  	[sflag:s23] =	ssyncset.done $0x0  }
0xaa: {  	s25 =	simm.s32 $0x1B8E;
	s24 =	sld [smem:$0x3FFE];
	[sflag:s23] =	ssyncadd.s32 $0xFFFFFFFF  }
0xab: {  	s26 =	simm.s32 $execute0_lowered;
	[smem:$0x3FD2] =	sst s25  }
0xac: {  	s6 =	sshll.u32 s26, $0x1;
	_ =	strace $0x80000046;
	[dreg:$0x1] =	wrdreg $0xFFFFFFFF  }
0xad: {  	s28 =	simm.s32 $_size_execute0_lowered;
	s4 =	sadd.s32 s4, s6;
	[dreg:$0x0] =	wrdreg $0x0  }
0xae: {  	s6 =	sshll.u32 s28, $0x1;
	[dreg:$0x2] =	wrdreg s4  }
0xaf: {  	[dreg:$0x3] =	wrdreg s6  }
0xb0: {  	[dreg:$0x4] =	wrdreg $0xC0  }
0xb1: {  	_ =	task [dreg:s8], $0x5FFFF  }
0xb2: {  	[dreg:$0x1] =	wrdreg $0xFFFFFFFF  }
0xb3: {  	[dreg:$0x0] =	wrdreg $0x60  }
0xb4: {  	[dreg:$0x2] =	wrdreg s24  }
0xb5: {  	[dreg:$0x3] =	wrdreg s17  }
0xb6: {  	[dreg:$0x4] =	wrdreg s16  }
0xb7: {  	[dreg:$0x5] =	wrdreg $0x9  }
0xb8: {  	_ =	task.clear_ibuf [dreg:s8], $0x6FFFF;
	_ =	strace $0x90000046  }
0xb9: {  	s29 =	simm.s32 $0x9;
	_ =	strace $0x80000048  }
0xba: {  	_ =	swait.ge [sflag:s29], $0x1  }
0xbb: {  	[sflag:s29] =	ssyncadd.s32 $0xFFFFFFFF  }
0xbc: {  	_ =	strace $0x90000048  }
0xbd: {  	_ =	sfence  }
0xbe: {  	s30 =	sld [smem:$0x0];
	_ =	sdelay $0x2  }
0xbf: {  	s31 =	sshll.u32 s1, $0xD;
	s1 =	sshrl.u32 s1, $0x2  }
0xc0: {  	s3 =	sand.u32 $0x4000, s31;
	s1 =	sadd.s32 s1, s30  }
0xc1: {  	s0 =	sor.u32 s3, s0;
	s1 =	sshll.u32 s1, $0x11  }
0xc2: {  	s0 =	sor.u32 s1, s0  }
0xc3: {  	s0 =	sadd.s32 $0x8F2B, s0  }
0xc4: {  	[sflag:s0] =	ssyncadd.remote.s32 $0x1  }
0xc5: {  	_ =	sfence.sel $0xFFFF  }
0xc6: {  	[dreg:$0x0] =	wrdreg $0xFFFFFFFF;
	(pc) =	sbr.abs _section_cstart, $3  }
0xc7: {  	[dreg:$0x1] =	wrdreg $0xFFFFFFFF  }
0xc8: {  	_ =	task.clear_ibuf [dreg:s8], $0x2FFFF;
	_ =	strace $0x9FFFFFFF  }
0xc9: {  	(tm) =	ssettm $0x7FFFFFFF  }
tec
execute0_lowered:
.L_overlay_start_1:
0x0: {  	(tag) =	ssettag $0x1  }
0x1: {  	s5 =	rddreg [dreg:$0x0]  }
0x2: {  	s2 =	rddreg [dreg:$0x1]  }
0x3: {  	s1 =	srdreg.scid;
	s0 =	stileid.u32  }
0x4: {  	s3 =	rddreg [dreg:$0x2];
	s4 =	simm.s32 $0x0;
	s14 =	simm.s32 $0xC80  }
0x5: {  	s15 =	simm.s32 $0xD00;
	s6 =	sand.u32 $0x1, s1;
	s1 =	rddreg [dreg:$0x3]  }
0x6: {  	s7 =	sshll.u32 s0, $0x1;
	[smem:$0x7FF] =	sst s4;
	s10 =	sadd.s32 $0xC00, s5  }
0x7: {  	s16 =	sand.u32 $0xE, s0;
	p0 =	sgt.u32 s0, $0x1;
	s8 =	sor.u32 s6, s7  }
0x8: {  	_ =	strace $0x80000047;
	s6 =	ssub.s32 $0x2, s6;
	s7 =	smul.u32 $0x438, s8  }
0x9: {  	p1 =	seq.s32 s16, $0x4;
	p2 =	sne.s32 s16, $0x2;
	s9 =	smul.u32 $0x3, s8  }
0xa: {  	s16 =	simm.s32 $0x0;
	s29 =	sshrl.u32 s6, $0x1;
	s11 =	smul.u32 $0x21C0, s8  }
0xb: {  	s13 =	smul.u32 $0x18, s8;
	s12 =	ssub.s32 s6, s29;
	s5 =	sadd.s32 s10, s7  }
.Ltmp0:
0xc: {  	s6 =	sadd.s32 s2, s9;
	s30 =	sadd.s32 $0xFFFEF200, s11;
	(pc) =	sbr.rel .LBB2_1-.Ltmp0, $4  }
0xd: {  	v0 =	vlaneseq.u32;
	s7 =	sadd.s32 s3, s9;
	s11 =	sadd.s32 $0xFFFF7900, s11;
	s9 =	sshrl.u32 s30, $0x3  }
0xe: {  	vm0 =	vmxor vm0, vm0;
	vm1 =	vmmov $0x1;
	vm2 =	vcmask $0x300;
	s12 =	smax.u32 s12, $0x1;
	s31 =	sshrl.u32 s11, $0x3;
	s9 =	sadd.s32 s10, s9  }
0xf: {  	vm3 =	vcmask $0x704;
	vm4 =	vcmask $0x308;
	vm5 =	vcmask $0x30C;
	s11 =	sadd.s32 $0xFFFFFFA8, s13;
	s10 =	sadd.s32 s10, s31;
	s8 =	sadd.s32 $0x2F0, s9  }
0x10: {  	vm6 =	vcmask $0xB08;
	vm7 =	vcmask $0x70C;
	v1 =	vor.u32 $0x80000000, v0;
	s9 =	sadd.s32 $0xFFFFFF50, s13;
	s10 =	sadd.s32 $0x188, s10;
	s13 =	simm.s32 $0x1  }
.LBB2_53:
0x11: {  	s17 =	sshrl.u32 s17, $0x3;
	[tilespmem:$0xC80] =	vst v2  }
0x12: {  	[tilespmem:$0xD00] =	vst v3;
	s18 =	sadd.s32 s2, s17  }
0x13: {  	[hbm4b:s18+s4] =	stream.linear.scatter [tilespmem:s14], [sflag:$0x1], $0x8, $0x38;
	[tilespmem:$0xD80] =	vst v63  }
0x14: {  	_ =	swait.ge [sflag:s13], $0x8  }
0x15: {  	[sflag:s13] =	ssyncset.done $0x0  }
0x16: {  	s17 =	sadd.s32 s3, s17;
	[sflag:s13] =	ssyncadd.s32 $0xFFFFFFF8  }
0x17: {  	[hbm4b:s17+s4] =	stream.linear.scatter [tilespmem:s15], [sflag:$0x1], $0x8, $0x38;
	[tilespmem:$0xD80] =	vst v63  }
0x18: {  	_ =	swait.ge [sflag:s13], $0x8  }
0x19: {  	[sflag:s13] =	ssyncset.done $0x0  }
0x1a: {  	[sflag:s13] =	ssyncadd.s32 $0xFFFFFFF8  }
.LBB2_54:
0x1b: {  	s16 =	sadd.s32 $0x1, s16  }
0x1c: {  	p3 =	sne.s32 s16, s12  }
.Ltmp1:
0x1d: {  	_ = 	snop;
	(pc) =	sbr.rel @!p3 .LBB2_55-.Ltmp1, $1  }
0x1e: {  	_ =	sdelay $0x3  }
.LBB2_1:
.Ltmp2:
0x1f: {  	(pc) =	sbr.rel @p0 .LBB2_15-.Ltmp2, $1  }
0x20: {  	_ =	sdelay $0x3  }
0x21: {  	s17 =	simm.s32 $0x0  }
0x22: {  	[tilespmem:s17], [sflag:$0x1] =	stream.linear.gather [hbm4b:s5+s17], $0xC40, $0x38;
	[tilespmem:$0xD80] =	vst v63  }
0x23: {  	_ =	swait.ge [sflag:s13], $0xC40  }
0x24: {  	[sflag:s13] =	ssyncset.done $0x0  }
0x25: {  	[sflag:s13] =	ssyncadd.s32 $0xFFFFF3C0  }
0x26: {  	v3 =	vld [tilespmem:s17+$0x0];
	_ =	sdelay $0x3  }
0x27: {  	v4 =	vimm.f32 $-Inf  }
0x28: {  	v2 =	vimm.s32 $0x0;
	s18 =	simm.s32 $0x1;
	s19 =	simm.s32 $0x2;
	s20 =	simm.s32 $0x10;
	vm8 =	vge.f32 v3, v4;
	v3 =	vmax.f32 v4, v3  }
.LBB2_3:
0x29: {  	p3 =	sne.s32 s19, $0xC3  }
0x2a: {  	v4 =	vld [tilespmem:s20+$0x0];
	v2 =	vsel vm8, s17, v2;
	s17 =	smov.u32 s18;
	s18 =	smov.u32 s19;
	s19 =	sadd.s32 $0x1, s19  }
.Ltmp3:
0x2b: {  	(pc) =	sbr.rel @p3 .LBB2_3-.Ltmp3, $2  }
0x2c: {  	_ =	sdelay $0x2  }
0x2d: {  	s20 =	sadd.s32 $0x10, s20;
	vm8 =	vge.f32 v4, v3;
	v3 =	vmax.f32 v3, v4  }
0x2e: {  	v4 =	vld [tilespmem:s20+$0x0];
	_ =	sdelay $0x4  }
0x2f: {  	v5 =	vmax.f32 v3, v4  }
0x30: {  	(xrf0) =	vmax.scan.msk.f32 $0xffff, v5;
	_ =	sdelay $0x5  }
0x31: {  	v2 =	vsel vm8, s17, v2;
	vm8 =	vge.f32 v4, v3;
	v3, _, _ =	vpop (xrf0)  }
0x32: {  	v4 =	vsel vm8, s18, v2;
	v2 =	vbroadcast v3, $0xF  }
0x33: {  	v3 =	vshll.u32 v4, $0x4  }
0x34: {  	v3 =	vxor.u32 v1, v3;
	vm8 =	veq.f32 v5, v2  }
0x35: {  	v3 =	vnsel vm8, $0x7FFFFFFF, v3  }
0x36: {  	(xrf0) =	vmax.scan.msk.u32 $0xffff, v3;
	_ =	sdelay $0x5  }
0x37: {  	v3, _, _ =	vpop (xrf0)  }
0x38: {  	(v2sf) =	vpush v3, $0xF;
	_ =	sdelay $0xe  }
0x39: {  	s30 =	spop (v2sf)  }
0x3a: {  	s31 =	sshra.s32 s30, $0x6  }
0x3b: {  	s17 =	sxor.u32 $0xFE000000, s31  }
0x3c: {  	p3 =	sgt.s32 s17, $0x7  }
0x3d: {  	s20 =	smov.u32 s17;
	p4 =	slt.s32 s17, $0x29;
	s19 =	smov.u32 s17  }
0x3e: {  	s20 =	simm.s32 @!p3 $0x7;
	s19 =	simm.s32 @!p4 $0x29  }
0x3f: {  	s21 =	sshll.u32 s20, $0x2;
	s19 =	sshll.u32 s19, $0x2  }
0x40: {  	s22 =	sadd.s32 $0xFFFFFFE4, s21;
	s23 =	sadd.s32 $0x20, s19  }
0x41: {  	p3 =	sge.s32 s22, s23  }
.Ltmp4:
0x42: {  	_ = 	snop;
	(pc) =	sbr.rel @p3 .LBB2_12-.Ltmp4, $2  }
0x43: {  	_ =	sdelay $0x2  }
0x44: {  	s18 =	sand.u32 $0x3F, s30  }
0x45: {  	s21 =	sadd.s32 $0xFFFFFFC4, s21  }
0x46: {  	s22 =	sshll.u32 s20, $0x6;
	s23 =	sadd.s32 $0x20, s21;
	s25 =	sadd.s32 $0x1, s21  }
0x47: {  	s24 =	sadd.s32 $0xFFFFFE40, s22;
	s23 =	sshra.s32 s23, $0x2;
	p5 =	sne.s32 s19, s25  }
.Ltmp5:
0x48: {  	s22 =	sand.u32 $0x30, s24;
	s26 =	ssub.s32 s23, s17;
	(pc) =	sbr.rel @!p5 .LBB2_6-.Ltmp5, $4  }
0x49: {  	v3 =	vmov s18;
	v6 =	vor.u32 s22, v0;
	s30 =	ssub.s32 $0x0, s26  }
0x4a: {  	s29 =	sshll.u32 s20, $0x8;
	v4 =	vsub.s32 v6, v3;
	s31 =	smin.u32 s26, s30  }
0x4b: {  	p3 =	por $0x0, $0x0;
	s20 =	sshra.s32 s29, $0x2;
	v5 =	vsub.s32 $0x0, v4;
	s22 =	ssub.s32 $0x8, s31  }
0x4c: {  	s20 =	sadd.s32 $0xFFFFFE40, s20;
	s24 =	sadd.s32 $0x10, s24;
	v7 =	vmin.u32 v4, v5;
	p4 =	sgt.s32 s22, $0x0  }
0x4d: {  	s22 =	simm.s32 @!p4 $0x0;
	v4 =	vsub.s32 $0x8, v7  }
0x4e: {  	vm8 =	vgt.s32 v4, $0x0;
	s22 =	smul.u32 $0x5, s22  }
0x4f: {  	v5 =	vnsel vm8, $0x0, v4  }
0x50: {  	s21 =	sadd.s32 $0x20, s25;
	p3 =	seq.s32 s23, s17;
	s23 =	sadd.s32 $0x1, s25;
	v5 =	vmul.u32 s22, v5  }
0x51: {  	s21 =	sshra.s32 s21, $0x2;
	p5 =	sne.s32 s19, s23  }
.Ltmp6:
0x52: {  	s28 =	sand.u32 $0x30, s24;
	s26 =	ssub.s32 s21, s17;
	vm10 =	vgt.s32 v5, $0x80;
	v5 =	vld [tilespmem:s20+$0x0];
	(pc) =	sbr.rel @!p5 .LBB2_8-.Ltmp6, $4  }
0x53: {  	v4 =	vor.u32 s28, v0;
	vm8 =	vmmov vm0;
	s29 =	ssub.s32 $0x0, s26  }
0x54: {  	vm9 =	veq.s32 v6, v3;
	v7 =	vsub.s32 v4, v3;
	vm8 =	vmneg @p3 vm8;
	s31 =	smin.u32 s26, s29  }
0x55: {  	s25 =	sadd.s32 $0x10, s24;
	v6 =	vsub.s32 $0x0, v7;
	vm8 =	vmand vm8, vm9;
	s22 =	ssub.s32 $0x8, s31  }
0x56: {  	s24 =	sadd.s32 $0x10, s20;
	p3 =	por $0x1, $0x1;
	v7 =	vmin.u32 v7, v6;
	p4 =	sgt.s32 s22, $0x0;
	vm8 =	vmor vm8, vm10  }
.LBB2_9:
0x57: {  	s26 =	sadd.s32 $0x20, s23;
	s23 =	sadd.s32 $0x1, s23;
	s22 =	simm.s32 @!p4 $0x0;
	v6 =	vsub.s32 $0x8, v7;
	v5 =	vsel vm8, $0xFF800000, v5  }
0x58: {  	s26 =	sshra.s32 s26, $0x2;
	p5 =	sne.s32 s19, s23;
	vm8 =	vgt.s32 v6, $0x0;
	s22 =	smul.u32 $0x5, s22;
	[tilespmem:s20+$0x0] =	vst v5  }
.Ltmp7:
0x59: {  	s20 =	sand.u32 $0x30, s25;
	s28 =	ssub.s32 s26, s17;
	v6 =	vnsel vm8, $0x0, v6;
	v5 =	vld [tilespmem:s24+$0x0];
	(pc) =	sbr.rel @p5 .LBB2_9-.Ltmp7, $4  }
0x5a: {  	p4 =	seq.s32 s21, s17;
	vm9 =	vmmov vm0;
	v7 =	vor.u32 s20, v0;
	s21 =	smov.u32 s26;
	s20 =	ssub.s32 $0x0, s28;
	v6 =	vmul.u32 s22, v6  }
0x5b: {  	vm9 =	vmneg @p4 vm9;
	vm8 =	veq.s32 v4, v3;
	v8 =	vsub.s32 v7, v3;
	v4 =	vmovc v7;
	s22 =	smin.u32 s28, s20;
	s20 =	smov.u32 s24  }
0x5c: {  	vm8 =	vmand vm9, vm8;
	v7 =	vsub.s32 $0x0, v8;
	s22 =	ssub.s32 $0x8, s22;
	vm10 =	vgt.s32 v6, $0x80  }
0x5d: {  	s25 =	sadd.s32 $0x10, s25;
	s24 =	sadd.s32 $0x10, s24;
	v7 =	vmin.u32 v8, v7;
	p4 =	sgt.s32 s22, $0x0;
	vm8 =	vmor vm8, vm10  }
0x5e: {  	s19 =	smov.u32 s20;
	s20 =	smov.u32 s24;
	s23 =	smov.u32 s21;
	v6 =	vmov v4  }
.LBB2_11:
0x5f: {  	s22 =	simm.s32 @!p4 $0x0;
	v4 =	vsub.s32 $0x8, v7;
	v5 =	vsel @p3 vm8, $0xFF800000, v5  }
0x60: {  	vm8 =	vgt.s32 v4, $0x0;
	s21 =	smul.u32 $0x5, s22;
	[tilespmem:s19+$0x0] =	vst @p3 v5  }
0x61: {  	v4 =	vnsel vm8, $0x0, v4;
	v5 =	vld [tilespmem:s20+$0x0]  }
0x62: {  	p3 =	seq.s32 s23, s17;
	vm8 =	vmmov vm0;
	v4 =	vmul.u32 s21, v4  }
0x63: {  	vm9 =	veq.s32 v6, v3;
	vm8 =	vmneg @p3 vm8  }
0x64: {  	vm8 =	vmand vm8, vm9;
	vm10 =	vgt.s32 v4, $0x80  }
0x65: {  	vm8 =	vmor vm8, vm10  }
0x66: {  	v3 =	vsel vm8, $0xFF800000, v5  }
0x67: {  	[tilespmem:s20+$0x0] =	vst v3  }
.LBB2_12:
0x68: {  	s19 =	simm.s32 $0x0  }
0x69: {  	v4 =	vld [tilespmem:s19+$0x0];
	_ =	sdelay $0x2  }
0x6a: {  	s17 =	smul.u32 $0x31, s17  }
0x6b: {  	v5 =	vimm.f32 $-Inf;
	s20 =	simm.s32 $0x2  }
0x6c: {  	v3 =	vimm.s32 $0x0;
	s21 =	simm.s32 $0x10;
	s17 =	sadd.s32 s18, s17;
	s18 =	simm.s32 $0x1;
	vm8 =	vge.f32 v4, v5;
	v4 =	vmax.f32 v5, v4  }
.LBB2_13:
0x6d: {  	p3 =	sne.s32 s20, $0xC3  }
0x6e: {  	v5 =	vld [tilespmem:s21+$0x0];
	v3 =	vsel vm8, s19, v3;
	s19 =	smov.u32 s18;
	s18 =	smov.u32 s20;
	s20 =	sadd.s32 $0x1, s20  }
.Ltmp8:
0x6f: {  	(pc) =	sbr.rel @p3 .LBB2_13-.Ltmp8, $2  }
0x70: {  	_ =	sdelay $0x2  }
0x71: {  	s21 =	sadd.s32 $0x10, s21;
	vm8 =	vge.f32 v5, v4;
	v4 =	vmax.f32 v4, v5  }
0x72: {  	v5 =	vld [tilespmem:s21+$0x0];
	_ =	sdelay $0x4  }
0x73: {  	v6 =	vmax.f32 v4, v5  }
0x74: {  	(xrf0) =	vmax.scan.msk.f32 $0xffff, v6;
	_ =	sdelay $0x5  }
0x75: {  	v3 =	vsel vm8, s19, v3;
	vm8 =	vge.f32 v5, v4;
	v63, _, _ =	vpop (xrf0)  }
0x76: {  	v3 =	vsel vm8, s18, v3;
	v4 =	vbroadcast v63, $0xF  }
0x77: {  	v3 =	vshll.u32 v3, $0x4  }
0x78: {  	v3 =	vxor.u32 v1, v3;
	vm8 =	veq.f32 v6, v4  }
0x79: {  	v3 =	vnsel vm8, $0x7FFFFFFF, v3  }
0x7a: {  	(xrf0) =	vmax.scan.msk.u32 $0xffff, v3;
	_ =	sdelay $0x5  }
0x7b: {  	v3, _, _ =	vpop (xrf0)  }
0x7c: {  	(v2sf) =	vpush v3, $0xF;
	_ =	sdelay $0xe  }
0x7d: {  	s29 =	spop (v2sf)  }
0x7e: {  	s30 =	sshra.s32 s29, $0x6  }
0x7f: {  	s19 =	sxor.u32 $0xFE000000, s30  }
0x80: {  	s19 =	smul.u32 $0x31, s19  }
0x81: {  	v2 =	vnsel vm1, $0x0, v2;
	v3 =	vmov s17;
	s18 =	sand.u32 $0x3F, s29  }
0x82: {  	v2 =	vsel vm4, v2, v4;
	v3 =	vnsel vm2, $0x0, v3;
	s31 =	sadd.s32 s18, s19  }
0x83: {  	[tilespmem:$0xD00] =	vst v2;
	v3 =	vsel vm3, s31, v3  }
0x84: {  	[tilespmem:$0xC80] =	vst v3  }
0x85: {  	[hbm4b:s6+s4] =	stream.linear.scatter [tilespmem:s14], [sflag:$0x1], $0x8, $0x38;
	[tilespmem:$0xD80] =	vst v63  }
0x86: {  	_ =	swait.ge [sflag:s13], $0x8  }
0x87: {  	[sflag:s13] =	ssyncset.done $0x0  }
0x88: {  	[sflag:s13] =	ssyncadd.s32 $0xFFFFFFF8  }
0x89: {  	[hbm4b:s7+s4] =	stream.linear.scatter [tilespmem:s15], [sflag:$0x1], $0x8, $0x38;
	[tilespmem:$0xD80] =	vst v63  }
0x8a: {  	_ =	swait.ge [sflag:s13], $0x8  }
0x8b: {  	[sflag:s13] =	ssyncset.done $0x0  }
0x8c: {  	[sflag:s13] =	ssyncadd.s32 $0xFFFFFFF8  }
.LBB2_15:
.Ltmp9:
0x8d: {  	(pc) =	sbr.rel @p1 .LBB2_40-.Ltmp9, $1  }
0x8e: {  	_ =	sdelay $0x3  }
.Ltmp10:
0x8f: {  	(pc) =	sbr.rel @p2 .LBB2_54-.Ltmp10, $1  }
0x90: {  	_ =	sdelay $0x3  }
0x91: {  	s17 =	simm.s32 $0x0  }
0x92: {  	[tilespmem:s17], [sflag:$0x1] =	stream.linear.gather [hbm4b:s10+s17], $0xB40, $0x38;
	[tilespmem:$0xD80] =	vst v63  }
0x93: {  	_ =	swait.ge [sflag:s13], $0xB40  }
0x94: {  	[sflag:s13] =	ssyncset.done $0x0  }
0x95: {  	[sflag:s13] =	ssyncadd.s32 $0xFFFFF4C0  }
0x96: {  	v3 =	vld [tilespmem:s17+$0x0];
	_ =	sdelay $0x3  }
0x97: {  	v4 =	vimm.f32 $-Inf  }
0x98: {  	v2 =	vimm.s32 $0x0;
	s18 =	simm.s32 $0x1;
	s19 =	simm.s32 $0x2;
	s20 =	simm.s32 $0x10;
	vm8 =	vge.f32 v3, v4;
	v3 =	vmax.f32 v4, v3  }
.LBB2_18:
0x99: {  	p3 =	sne.s32 s19, $0xB3  }
0x9a: {  	v4 =	vld [tilespmem:s20+$0x0];
	v2 =	vsel vm8, s17, v2;
	s17 =	smov.u32 s18;
	s18 =	smov.u32 s19;
	s19 =	sadd.s32 $0x1, s19  }
.Ltmp11:
0x9b: {  	(pc) =	sbr.rel @p3 .LBB2_18-.Ltmp11, $2  }
0x9c: {  	_ =	sdelay $0x2  }
0x9d: {  	s20 =	sadd.s32 $0x10, s20;
	vm8 =	vge.f32 v4, v3;
	v3 =	vmax.f32 v3, v4  }
0x9e: {  	v4 =	vld [tilespmem:s20+$0x0];
	_ =	sdelay $0x4  }
0x9f: {  	v5 =	vmax.f32 v3, v4  }
0xa0: {  	(xrf0) =	vmax.scan.msk.f32 $0xffff, v5;
	_ =	sdelay $0x5  }
0xa1: {  	v2 =	vsel vm8, s17, v2;
	vm8 =	vge.f32 v4, v3;
	v3, _, _ =	vpop (xrf0)  }
0xa2: {  	v4 =	vsel vm8, s18, v2;
	v2 =	vbroadcast v3, $0xF  }
0xa3: {  	v3 =	vshll.u32 v4, $0x4  }
0xa4: {  	v3 =	vxor.u32 v1, v3;
	vm8 =	veq.f32 v5, v2  }
0xa5: {  	v3 =	vnsel vm8, $0x7FFFFFFF, v3  }
0xa6: {  	(xrf0) =	vmax.scan.msk.u32 $0xffff, v3;
	_ =	sdelay $0x5  }
0xa7: {  	v3, _, _ =	vpop (xrf0)  }
0xa8: {  	(v2sf) =	vpush v3, $0xF;
	_ =	sdelay $0xe  }
0xa9: {  	s30 =	spop (v2sf)  }
0xaa: {  	s31 =	sshra.s32 s30, $0x6  }
0xab: {  	s17 =	sxor.u32 $0xFE000000, s31  }
0xac: {  	p3 =	sgt.s32 s17, $0xB  }
0xad: {  	s20 =	smov.u32 s17;
	p4 =	slt.s32 s17, $0x21;
	s19 =	smov.u32 s17  }
0xae: {  	s20 =	simm.s32 @!p3 $0xB;
	s19 =	simm.s32 @!p4 $0x21  }
0xaf: {  	s21 =	sshll.u32 s20, $0x2;
	s19 =	sshll.u32 s19, $0x2  }
0xb0: {  	s22 =	sadd.s32 $0xFFFFFFD4, s21;
	s23 =	sadd.s32 $0x30, s19  }
0xb1: {  	p3 =	sge.s32 s22, s23  }
.Ltmp12:
0xb2: {  	_ = 	snop;
	(pc) =	sbr.rel @p3 .LBB2_27-.Ltmp12, $2  }
0xb3: {  	_ =	sdelay $0x2  }
0xb4: {  	s18 =	sand.u32 $0x3F, s30  }
0xb5: {  	s21 =	sadd.s32 $0xFFFFFFA4, s21  }
0xb6: {  	s22 =	sshll.u32 s20, $0x6;
	s23 =	sadd.s32 $0x30, s21;
	s25 =	sadd.s32 $0x1, s21  }
0xb7: {  	s24 =	sadd.s32 $0xFFFFFD40, s22;
	s23 =	sshra.s32 s23, $0x2;
	p5 =	sne.s32 s19, s25  }
.Ltmp13:
0xb8: {  	s22 =	sand.u32 $0x30, s24;
	s26 =	ssub.s32 s23, s17;
	(pc) =	sbr.rel @!p5 .LBB2_21-.Ltmp13, $4  }
0xb9: {  	v3 =	vmov s18;
	v6 =	vor.u32 s22, v0;
	s30 =	ssub.s32 $0x0, s26  }
0xba: {  	s29 =	sshll.u32 s20, $0x8;
	v4 =	vsub.s32 v6, v3;
	s31 =	smin.u32 s26, s30  }
0xbb: {  	p3 =	por $0x0, $0x0;
	s20 =	sshra.s32 s29, $0x2;
	v5 =	vsub.s32 $0x0, v4;
	s22 =	ssub.s32 $0xC, s31  }
0xbc: {  	s20 =	sadd.s32 $0xFFFFFD40, s20;
	s24 =	sadd.s32 $0x10, s24;
	v7 =	vmin.u32 v4, v5;
	p4 =	sgt.s32 s22, $0x0  }
0xbd: {  	s22 =	simm.s32 @!p4 $0x0;
	v4 =	vsub.s32 $0xC, v7  }
0xbe: {  	vm8 =	vgt.s32 v4, $0x0;
	s22 =	smul.u32 $0x5, s22  }
0xbf: {  	v5 =	vnsel vm8, $0x0, v4  }
0xc0: {  	s21 =	sadd.s32 $0x30, s25;
	p3 =	seq.s32 s23, s17;
	s23 =	sadd.s32 $0x1, s25;
	v5 =	vmul.u32 s22, v5  }
0xc1: {  	s21 =	sshra.s32 s21, $0x2;
	p5 =	sne.s32 s19, s23  }
.Ltmp14:
0xc2: {  	s28 =	sand.u32 $0x30, s24;
	s26 =	ssub.s32 s21, s17;
	vm10 =	vgt.s32 v5, $0x120;
	v5 =	vld [tilespmem:s20+$0x0];
	(pc) =	sbr.rel @!p5 .LBB2_23-.Ltmp14, $4  }
0xc3: {  	v4 =	vor.u32 s28, v0;
	vm8 =	vmmov vm0;
	s29 =	ssub.s32 $0x0, s26  }
0xc4: {  	vm9 =	veq.s32 v6, v3;
	v7 =	vsub.s32 v4, v3;
	vm8 =	vmneg @p3 vm8;
	s31 =	smin.u32 s26, s29  }
0xc5: {  	s25 =	sadd.s32 $0x10, s24;
	v6 =	vsub.s32 $0x0, v7;
	vm8 =	vmand vm8, vm9;
	s22 =	ssub.s32 $0xC, s31  }
0xc6: {  	s24 =	sadd.s32 $0x10, s20;
	p3 =	por $0x1, $0x1;
	v7 =	vmin.u32 v7, v6;
	p4 =	sgt.s32 s22, $0x0;
	vm8 =	vmor vm8, vm10  }
.LBB2_24:
0xc7: {  	s26 =	sadd.s32 $0x30, s23;
	s23 =	sadd.s32 $0x1, s23;
	s22 =	simm.s32 @!p4 $0x0;
	v6 =	vsub.s32 $0xC, v7;
	v5 =	vsel vm8, $0xFF800000, v5  }
0xc8: {  	s26 =	sshra.s32 s26, $0x2;
	p5 =	sne.s32 s19, s23;
	vm8 =	vgt.s32 v6, $0x0;
	s22 =	smul.u32 $0x5, s22;
	[tilespmem:s20+$0x0] =	vst v5  }
.Ltmp15:
0xc9: {  	s20 =	sand.u32 $0x30, s25;
	s28 =	ssub.s32 s26, s17;
	v6 =	vnsel vm8, $0x0, v6;
	v5 =	vld [tilespmem:s24+$0x0];
	(pc) =	sbr.rel @p5 .LBB2_24-.Ltmp15, $4  }
0xca: {  	p4 =	seq.s32 s21, s17;
	vm9 =	vmmov vm0;
	v7 =	vor.u32 s20, v0;
	s21 =	smov.u32 s26;
	s20 =	ssub.s32 $0x0, s28;
	v6 =	vmul.u32 s22, v6  }
0xcb: {  	vm9 =	vmneg @p4 vm9;
	vm8 =	veq.s32 v4, v3;
	v8 =	vsub.s32 v7, v3;
	v4 =	vmovc v7;
	s22 =	smin.u32 s28, s20;
	s20 =	smov.u32 s24  }
0xcc: {  	vm8 =	vmand vm9, vm8;
	v7 =	vsub.s32 $0x0, v8;
	s22 =	ssub.s32 $0xC, s22;
	vm10 =	vgt.s32 v6, $0x120  }
0xcd: {  	s25 =	sadd.s32 $0x10, s25;
	s24 =	sadd.s32 $0x10, s24;
	v7 =	vmin.u32 v8, v7;
	p4 =	sgt.s32 s22, $0x0;
	vm8 =	vmor vm8, vm10  }
0xce: {  	s19 =	smov.u32 s20;
	s20 =	smov.u32 s24;
	s23 =	smov.u32 s21;
	v6 =	vmov v4  }
.LBB2_26:
0xcf: {  	s22 =	simm.s32 @!p4 $0x0;
	v4 =	vsub.s32 $0xC, v7;
	v5 =	vsel @p3 vm8, $0xFF800000, v5  }
0xd0: {  	vm8 =	vgt.s32 v4, $0x0;
	s21 =	smul.u32 $0x5, s22;
	[tilespmem:s19+$0x0] =	vst @p3 v5  }
0xd1: {  	v4 =	vnsel vm8, $0x0, v4;
	v5 =	vld [tilespmem:s20+$0x0]  }
0xd2: {  	p3 =	seq.s32 s23, s17;
	vm8 =	vmmov vm0;
	v4 =	vmul.u32 s21, v4  }
0xd3: {  	vm9 =	veq.s32 v6, v3;
	vm8 =	vmneg @p3 vm8  }
0xd4: {  	vm8 =	vmand vm8, vm9;
	vm10 =	vgt.s32 v4, $0x120  }
0xd5: {  	vm8 =	vmor vm8, vm10  }
0xd6: {  	v3 =	vsel vm8, $0xFF800000, v5  }
0xd7: {  	[tilespmem:s20+$0x0] =	vst v3  }
.LBB2_27:
0xd8: {  	s19 =	simm.s32 $0x0  }
0xd9: {  	v4 =	vld [tilespmem:s19+$0x0];
	_ =	sdelay $0x1  }
0xda: {  	s17 =	smul.u32 $0x2D, s17;
	_ =	sdelay $0x1  }
0xdb: {  	v5 =	vimm.f32 $-Inf;
	s20 =	simm.s32 $0x2;
	s17 =	sadd.s32 s17, s18  }
0xdc: {  	v3 =	vimm.s32 $0x0;
	s21 =	simm.s32 $0x10;
	s18 =	simm.s32 $0x1;
	s17 =	sadd.s32 $0x961, s17;
	vm8 =	vge.f32 v4, v5;
	v4 =	vmax.f32 v5, v4  }
.LBB2_28:
0xdd: {  	p3 =	sne.s32 s20, $0xB3  }
0xde: {  	v5 =	vld [tilespmem:s21+$0x0];
	v3 =	vsel vm8, s19, v3;
	s19 =	smov.u32 s18;
	s18 =	smov.u32 s20;
	s20 =	sadd.s32 $0x1, s20  }
.Ltmp16:
0xdf: {  	(pc) =	sbr.rel @p3 .LBB2_28-.Ltmp16, $2  }
0xe0: {  	_ =	sdelay $0x2  }
0xe1: {  	s21 =	sadd.s32 $0x10, s21;
	vm8 =	vge.f32 v5, v4;
	v4 =	vmax.f32 v4, v5  }
0xe2: {  	v5 =	vld [tilespmem:s21+$0x0];
	_ =	sdelay $0x4  }
0xe3: {  	v6 =	vmax.f32 v4, v5  }
0xe4: {  	(xrf0) =	vmax.scan.msk.f32 $0xffff, v6;
	_ =	sdelay $0x5  }
0xe5: {  	v3 =	vsel vm8, s19, v3;
	vm8 =	vge.f32 v5, v4;
	v4, _, _ =	vpop (xrf0)  }
0xe6: {  	v5 =	vsel vm8, s18, v3;
	v3 =	vbroadcast v4, $0xF  }
0xe7: {  	v4 =	vshll.u32 v5, $0x4  }
0xe8: {  	v4 =	vxor.u32 v1, v4;
	vm8 =	veq.f32 v6, v3  }
0xe9: {  	v4 =	vnsel vm8, $0x7FFFFFFF, v4  }
0xea: {  	(xrf0) =	vmax.scan.msk.u32 $0xffff, v4;
	_ =	sdelay $0x5  }
0xeb: {  	v4, _, _ =	vpop (xrf0)  }
0xec: {  	(v2sf) =	vpush v4, $0xF;
	_ =	sdelay $0xe  }
0xed: {  	s30 =	spop (v2sf)  }
0xee: {  	s31 =	sshra.s32 s30, $0x6  }
0xef: {  	s18 =	sxor.u32 $0xFE000000, s31  }
0xf0: {  	p3 =	sgt.s32 s18, $0xB  }
0xf1: {  	s21 =	smov.u32 s18;
	p4 =	slt.s32 s18, $0x21;
	s20 =	smov.u32 s18  }
0xf2: {  	s21 =	simm.s32 @!p3 $0xB;
	s20 =	simm.s32 @!p4 $0x21  }
0xf3: {  	s22 =	sshll.u32 s21, $0x2;
	s20 =	sshll.u32 s20, $0x2  }
0xf4: {  	s23 =	sadd.s32 $0xFFFFFFD4, s22;
	s24 =	sadd.s32 $0x30, s20  }
0xf5: {  	p3 =	sge.s32 s23, s24  }
.Ltmp17:
0xf6: {  	_ = 	snop;
	(pc) =	sbr.rel @p3 .LBB2_37-.Ltmp17, $2  }
0xf7: {  	_ =	sdelay $0x2  }
0xf8: {  	s19 =	sand.u32 $0x3F, s30  }
0xf9: {  	s22 =	sadd.s32 $0xFFFFFFA4, s22  }
0xfa: {  	s23 =	sshll.u32 s21, $0x6;
	s24 =	sadd.s32 $0x30, s22;
	s26 =	sadd.s32 $0x1, s22  }
0xfb: {  	s25 =	sadd.s32 $0xFFFFFD40, s23;
	s24 =	sshra.s32 s24, $0x2;
	p5 =	sne.s32 s20, s26  }
.Ltmp18:
0xfc: {  	s23 =	sand.u32 $0x30, s25;
	s28 =	ssub.s32 s24, s18;
	(pc) =	sbr.rel @!p5 .LBB2_31-.Ltmp18, $4  }
0xfd: {  	v4 =	vmov s19;
	v7 =	vor.u32 s23, v0;
	s30 =	ssub.s32 $0x0, s28  }
0xfe: {  	s29 =	sshll.u32 s21, $0x8;
	v5 =	vsub.s32 v7, v4;
	s31 =	smin.u32 s28, s30  }
0xff: {  	p3 =	por $0x0, $0x0;
	s21 =	sshra.s32 s29, $0x2;
	v6 =	vsub.s32 $0x0, v5;
	s23 =	ssub.s32 $0xC, s31  }
0x100: {  	s21 =	sadd.s32 $0xFFFFFD40, s21;
	s25 =	sadd.s32 $0x10, s25;
	v8 =	vmin.u32 v5, v6;
	p4 =	sgt.s32 s23, $0x0  }
0x101: {  	s23 =	simm.s32 @!p4 $0x0;
	v5 =	vsub.s32 $0xC, v8  }
0x102: {  	vm8 =	vgt.s32 v5, $0x0;
	s23 =	smul.u32 $0x5, s23  }
0x103: {  	v6 =	vnsel vm8, $0x0, v5  }
0x104: {  	s22 =	sadd.s32 $0x30, s26;
	p3 =	seq.s32 s24, s18;
	s24 =	sadd.s32 $0x1, s26;
	v6 =	vmul.u32 s23, v6  }
0x105: {  	s22 =	sshra.s32 s22, $0x2;
	p5 =	sne.s32 s20, s24  }
.Ltmp19:
0x106: {  	s29 =	sand.u32 $0x30, s25;
	s28 =	ssub.s32 s22, s18;
	vm10 =	vgt.s32 v6, $0x120;
	v6 =	vld [tilespmem:s21+$0x0];
	(pc) =	sbr.rel @!p5 .LBB2_33-.Ltmp19, $4  }
0x107: {  	v5 =	vor.u32 s29, v0;
	vm8 =	vmmov vm0;
	s30 =	ssub.s32 $0x0, s28  }
0x108: {  	vm9 =	veq.s32 v7, v4;
	v8 =	vsub.s32 v5, v4;
	vm8 =	vmneg @p3 vm8;
	s31 =	smin.u32 s28, s30  }
0x109: {  	s26 =	sadd.s32 $0x10, s25;
	v7 =	vsub.s32 $0x0, v8;
	vm8 =	vmand vm8, vm9;
	s23 =	ssub.s32 $0xC, s31  }
0x10a: {  	s25 =	sadd.s32 $0x10, s21;
	p3 =	por $0x1, $0x1;
	v8 =	vmin.u32 v8, v7;
	p4 =	sgt.s32 s23, $0x0;
	vm8 =	vmor vm8, vm10  }
.LBB2_34:
0x10b: {  	s28 =	sadd.s32 $0x30, s24;
	s24 =	sadd.s32 $0x1, s24;
	s23 =	simm.s32 @!p4 $0x0;
	v7 =	vsub.s32 $0xC, v8;
	v6 =	vsel vm8, $0xFF800000, v6  }
0x10c: {  	s28 =	sshra.s32 s28, $0x2;
	p5 =	sne.s32 s20, s24;
	vm8 =	vgt.s32 v7, $0x0;
	s23 =	smul.u32 $0x5, s23;
	[tilespmem:s21+$0x0] =	vst v6  }
.Ltmp20:
0x10d: {  	s21 =	sand.u32 $0x30, s26;
	s29 =	ssub.s32 s28, s18;
	v7 =	vnsel vm8, $0x0, v7;
	v6 =	vld [tilespmem:s25+$0x0];
	(pc) =	sbr.rel @p5 .LBB2_34-.Ltmp20, $4  }
0x10e: {  	p4 =	seq.s32 s22, s18;
	vm9 =	vmmov vm0;
	v8 =	vor.u32 s21, v0;
	s22 =	smov.u32 s28;
	s21 =	ssub.s32 $0x0, s29;
	v7 =	vmul.u32 s23, v7  }
0x10f: {  	vm9 =	vmneg @p4 vm9;
	vm8 =	veq.s32 v5, v4;
	v9 =	vsub.s32 v8, v4;
	v5 =	vmovc v8;
	s23 =	smin.u32 s29, s21;
	s21 =	smov.u32 s25  }
0x110: {  	vm8 =	vmand vm9, vm8;
	v8 =	vsub.s32 $0x0, v9;
	s23 =	ssub.s32 $0xC, s23;
	vm10 =	vgt.s32 v7, $0x120  }
0x111: {  	s26 =	sadd.s32 $0x10, s26;
	s25 =	sadd.s32 $0x10, s25;
	v8 =	vmin.u32 v9, v8;
	p4 =	sgt.s32 s23, $0x0;
	vm8 =	vmor vm8, vm10  }
0x112: {  	s20 =	smov.u32 s21;
	s21 =	smov.u32 s25;
	s24 =	smov.u32 s22;
	v7 =	vmov v5  }
.LBB2_36:
0x113: {  	s23 =	simm.s32 @!p4 $0x0;
	v5 =	vsub.s32 $0xC, v8;
	v6 =	vsel @p3 vm8, $0xFF800000, v6  }
0x114: {  	vm8 =	vgt.s32 v5, $0x0;
	s22 =	smul.u32 $0x5, s23;
	[tilespmem:s20+$0x0] =	vst @p3 v6  }
0x115: {  	v5 =	vnsel vm8, $0x0, v5;
	v6 =	vld [tilespmem:s21+$0x0]  }
0x116: {  	p3 =	seq.s32 s24, s18;
	vm8 =	vmmov vm0;
	v5 =	vmul.u32 s22, v5  }
0x117: {  	vm9 =	veq.s32 v7, v4;
	vm8 =	vmneg @p3 vm8  }
0x118: {  	vm8 =	vmand vm8, vm9;
	vm10 =	vgt.s32 v5, $0x120  }
0x119: {  	vm8 =	vmor vm8, vm10  }
0x11a: {  	v4 =	vsel vm8, $0xFF800000, v6  }
0x11b: {  	[tilespmem:s21+$0x0] =	vst v4  }
.LBB2_37:
0x11c: {  	s20 =	simm.s32 $0x0  }
0x11d: {  	v5 =	vld [tilespmem:s20+$0x0];
	_ =	sdelay $0x1  }
0x11e: {  	s18 =	smul.u32 $0x2D, s18;
	_ =	sdelay $0x1  }
0x11f: {  	v6 =	vimm.f32 $-Inf;
	s21 =	simm.s32 $0x2;
	s18 =	sadd.s32 s18, s19  }
0x120: {  	v4 =	vimm.s32 $0x0;
	s22 =	simm.s32 $0x10;
	s19 =	simm.s32 $0x1;
	s18 =	sadd.s32 $0x961, s18;
	vm8 =	vge.f32 v5, v6;
	v5 =	vmax.f32 v6, v5  }
.LBB2_38:
0x121: {  	p3 =	sne.s32 s21, $0xB3  }
0x122: {  	v6 =	vld [tilespmem:s22+$0x0];
	v4 =	vsel vm8, s20, v4;
	s20 =	smov.u32 s19;
	s19 =	smov.u32 s21;
	s21 =	sadd.s32 $0x1, s21  }
.Ltmp21:
0x123: {  	(pc) =	sbr.rel @p3 .LBB2_38-.Ltmp21, $2  }
0x124: {  	_ =	sdelay $0x2  }
0x125: {  	s22 =	sadd.s32 $0x10, s22;
	vm8 =	vge.f32 v6, v5;
	v5 =	vmax.f32 v5, v6  }
0x126: {  	v6 =	vld [tilespmem:s22+$0x0];
	_ =	sdelay $0x4  }
0x127: {  	v7 =	vmax.f32 v5, v6  }
0x128: {  	(xrf0) =	vmax.scan.msk.f32 $0xffff, v7;
	_ =	sdelay $0x5  }
0x129: {  	v4 =	vsel vm8, s20, v4;
	vm8 =	vge.f32 v6, v5;
	v5, _, _ =	vpop (xrf0)  }
0x12a: {  	v4 =	vsel vm8, s19, v4;
	v5 =	vbroadcast v5, $0xF  }
0x12b: {  	v4 =	vshll.u32 v4, $0x4  }
0x12c: {  	v4 =	vxor.u32 v1, v4;
	vm8 =	veq.f32 v7, v5  }
0x12d: {  	v4 =	vnsel vm8, $0x7FFFFFFF, v4  }
0x12e: {  	(xrf0) =	vmax.scan.msk.u32 $0xffff, v4;
	_ =	sdelay $0x5  }
0x12f: {  	v4, _, _ =	vpop (xrf0)  }
0x130: {  	(v2sf) =	vpush v4, $0xF;
	_ =	sdelay $0xe  }
0x131: {  	s29 =	spop (v2sf)  }
0x132: {  	s30 =	sshra.s32 s29, $0x6  }
0x133: {  	s20 =	sxor.u32 $0xFE000000, s30  }
0x134: {  	s20 =	smul.u32 $0x2D, s20  }
.Ltmp22:
0x135: {  	_ = 	snop;
	(pc) =	sbr.rel .LBB2_53-.Ltmp22, $4  }
0x136: {  	v4 =	vmov s17;
	s19 =	sand.u32 $0x3F, s29  }
0x137: {  	v2 =	vnsel vm1, $0x0, v2;
	v4 =	vnsel vm2, $0x0, v4;
	s31 =	sadd.s32 s20, s19  }
0x138: {  	v3 =	vsel vm5, v2, v3;
	v2 =	vsel vm3, s18, v4;
	s17 =	sadd.s32 $0x961, s31  }
0x139: {  	v3 =	vsel vm7, v3, v5;
	v2 =	vsel vm6, s17, v2;
	s17 =	smov.u32 s11  }
.LBB2_40:
0x13a: {  	s17 =	simm.s32 $0x0  }
0x13b: {  	[tilespmem:s17], [sflag:$0x1] =	stream.linear.gather [hbm4b:s8+s17], $0xA40, $0x38;
	[tilespmem:$0xD80] =	vst v63  }
0x13c: {  	_ =	swait.ge [sflag:s13], $0xA40  }
0x13d: {  	[sflag:s13] =	ssyncset.done $0x0  }
0x13e: {  	[sflag:s13] =	ssyncadd.s32 $0xFFFFF5C0  }
0x13f: {  	v3 =	vld [tilespmem:s17+$0x0];
	_ =	sdelay $0x3  }
0x140: {  	v4 =	vimm.f32 $-Inf  }
0x141: {  	v2 =	vimm.s32 $0x0;
	s18 =	simm.s32 $0x1;
	s19 =	simm.s32 $0x2;
	s20 =	simm.s32 $0x10;
	vm8 =	vge.f32 v3, v4;
	v3 =	vmax.f32 v4, v3  }
.LBB2_41:
0x142: {  	p3 =	sne.s32 s19, $0xA3  }
0x143: {  	v4 =	vld [tilespmem:s20+$0x0];
	v2 =	vsel vm8, s17, v2;
	s17 =	smov.u32 s18;
	s18 =	smov.u32 s19;
	s19 =	sadd.s32 $0x1, s19  }
.Ltmp23:
0x144: {  	(pc) =	sbr.rel @p3 .LBB2_41-.Ltmp23, $2  }
0x145: {  	_ =	sdelay $0x2  }
0x146: {  	s20 =	sadd.s32 $0x10, s20;
	vm8 =	vge.f32 v4, v3;
	v3 =	vmax.f32 v3, v4  }
0x147: {  	v4 =	vld [tilespmem:s20+$0x0];
	_ =	sdelay $0x4  }
0x148: {  	v5 =	vmax.f32 v3, v4  }
0x149: {  	(xrf0) =	vmax.scan.msk.f32 $0xffff, v5;
	_ =	sdelay $0x5  }
0x14a: {  	v2 =	vsel vm8, s17, v2;
	vm8 =	vge.f32 v4, v3;
	v3, _, _ =	vpop (xrf0)  }
0x14b: {  	v4 =	vsel vm8, s18, v2;
	v2 =	vbroadcast v3, $0xF  }
0x14c: {  	v3 =	vshll.u32 v4, $0x4  }
0x14d: {  	v3 =	vxor.u32 v1, v3;
	vm8 =	veq.f32 v5, v2  }
0x14e: {  	v3 =	vnsel vm8, $0x7FFFFFFF, v3  }
0x14f: {  	(xrf0) =	vmax.scan.msk.u32 $0xffff, v3;
	_ =	sdelay $0x5  }
0x150: {  	v3, _, _ =	vpop (xrf0)  }
0x151: {  	(v2sf) =	vpush v3, $0xF;
	_ =	sdelay $0xe  }
0x152: {  	s30 =	spop (v2sf)  }
0x153: {  	s31 =	sshra.s32 s30, $0x6  }
0x154: {  	s17 =	sxor.u32 $0xFE000000, s31  }
0x155: {  	p3 =	sgt.s32 s17, $0xF  }
0x156: {  	s20 =	smov.u32 s17;
	p4 =	slt.s32 s17, $0x19;
	s19 =	smov.u32 s17  }
0x157: {  	s20 =	simm.s32 @!p3 $0xF;
	s19 =	simm.s32 @!p4 $0x19  }
0x158: {  	s21 =	sshll.u32 s20, $0x2;
	s19 =	sshll.u32 s19, $0x2  }
0x159: {  	s22 =	sadd.s32 $0xFFFFFFC4, s21;
	s23 =	sadd.s32 $0x40, s19  }
0x15a: {  	p3 =	sge.s32 s22, s23  }
.Ltmp24:
0x15b: {  	_ = 	snop;
	(pc) =	sbr.rel @p3 .LBB2_50-.Ltmp24, $2  }
0x15c: {  	_ =	sdelay $0x2  }
0x15d: {  	s18 =	sand.u32 $0x3F, s30  }
0x15e: {  	s21 =	sadd.s32 $0xFFFFFF84, s21  }
0x15f: {  	s22 =	sshll.u32 s20, $0x6;
	s23 =	sadd.s32 $0x40, s21;
	s25 =	sadd.s32 $0x1, s21  }
0x160: {  	s24 =	sadd.s32 $0xFFFFFC40, s22;
	s23 =	sshra.s32 s23, $0x2;
	p5 =	sne.s32 s19, s25  }
.Ltmp25:
0x161: {  	s22 =	sand.u32 $0x30, s24;
	s26 =	ssub.s32 s23, s17;
	(pc) =	sbr.rel @!p5 .LBB2_44-.Ltmp25, $4  }
0x162: {  	v3 =	vmov s18;
	v6 =	vor.u32 s22, v0;
	s30 =	ssub.s32 $0x0, s26  }
0x163: {  	s29 =	sshll.u32 s20, $0x8;
	v4 =	vsub.s32 v6, v3;
	s31 =	smin.u32 s26, s30  }
0x164: {  	p3 =	por $0x0, $0x0;
	s20 =	sshra.s32 s29, $0x2;
	v5 =	vsub.s32 $0x0, v4;
	s22 =	ssub.s32 $0x10, s31  }
0x165: {  	s20 =	sadd.s32 $0xFFFFFC40, s20;
	s24 =	sadd.s32 $0x10, s24;
	v7 =	vmin.u32 v4, v5;
	p4 =	sgt.s32 s22, $0x0  }
0x166: {  	s22 =	simm.s32 @!p4 $0x0;
	v4 =	vsub.s32 $0x10, v7  }
0x167: {  	vm8 =	vgt.s32 v4, $0x0;
	s22 =	smul.u32 $0x5, s22  }
0x168: {  	v5 =	vnsel vm8, $0x0, v4  }
0x169: {  	s21 =	sadd.s32 $0x40, s25;
	p3 =	seq.s32 s23, s17;
	s23 =	sadd.s32 $0x1, s25;
	v5 =	vmul.u32 s22, v5  }
0x16a: {  	s21 =	sshra.s32 s21, $0x2;
	p5 =	sne.s32 s19, s23  }
.Ltmp26:
0x16b: {  	s28 =	sand.u32 $0x30, s24;
	s26 =	ssub.s32 s21, s17;
	vm10 =	vgt.s32 v5, $0x200;
	v5 =	vld [tilespmem:s20+$0x0];
	(pc) =	sbr.rel @!p5 .LBB2_46-.Ltmp26, $4  }
0x16c: {  	v4 =	vor.u32 s28, v0;
	vm8 =	vmmov vm0;
	s29 =	ssub.s32 $0x0, s26  }
0x16d: {  	vm9 =	veq.s32 v6, v3;
	v7 =	vsub.s32 v4, v3;
	vm8 =	vmneg @p3 vm8;
	s31 =	smin.u32 s26, s29  }
0x16e: {  	s25 =	sadd.s32 $0x10, s24;
	v6 =	vsub.s32 $0x0, v7;
	vm8 =	vmand vm8, vm9;
	s22 =	ssub.s32 $0x10, s31  }
0x16f: {  	s24 =	sadd.s32 $0x10, s20;
	p3 =	por $0x1, $0x1;
	v7 =	vmin.u32 v7, v6;
	p4 =	sgt.s32 s22, $0x0;
	vm8 =	vmor vm8, vm10  }
.LBB2_47:
0x170: {  	s26 =	sadd.s32 $0x40, s23;
	s23 =	sadd.s32 $0x1, s23;
	s22 =	simm.s32 @!p4 $0x0;
	v6 =	vsub.s32 $0x10, v7;
	v5 =	vsel vm8, $0xFF800000, v5  }
0x171: {  	s26 =	sshra.s32 s26, $0x2;
	p5 =	sne.s32 s19, s23;
	vm8 =	vgt.s32 v6, $0x0;
	s22 =	smul.u32 $0x5, s22;
	[tilespmem:s20+$0x0] =	vst v5  }
.Ltmp27:
0x172: {  	s20 =	sand.u32 $0x30, s25;
	s28 =	ssub.s32 s26, s17;
	v6 =	vnsel vm8, $0x0, v6;
	v5 =	vld [tilespmem:s24+$0x0];
	(pc) =	sbr.rel @p5 .LBB2_47-.Ltmp27, $4  }
0x173: {  	p4 =	seq.s32 s21, s17;
	vm9 =	vmmov vm0;
	v7 =	vor.u32 s20, v0;
	s21 =	smov.u32 s26;
	s20 =	ssub.s32 $0x0, s28;
	v6 =	vmul.u32 s22, v6  }
0x174: {  	vm9 =	vmneg @p4 vm9;
	vm8 =	veq.s32 v4, v3;
	v8 =	vsub.s32 v7, v3;
	v4 =	vmovc v7;
	s22 =	smin.u32 s28, s20;
	s20 =	smov.u32 s24  }
0x175: {  	vm8 =	vmand vm9, vm8;
	v7 =	vsub.s32 $0x0, v8;
	s22 =	ssub.s32 $0x10, s22;
	vm10 =	vgt.s32 v6, $0x200  }
0x176: {  	s25 =	sadd.s32 $0x10, s25;
	s24 =	sadd.s32 $0x10, s24;
	v7 =	vmin.u32 v8, v7;
	p4 =	sgt.s32 s22, $0x0;
	vm8 =	vmor vm8, vm10  }
0x177: {  	s19 =	smov.u32 s20;
	s20 =	smov.u32 s24;
	s23 =	smov.u32 s21;
	v6 =	vmov v4  }
.LBB2_49:
0x178: {  	s22 =	simm.s32 @!p4 $0x0;
	v4 =	vsub.s32 $0x10, v7;
	v5 =	vsel @p3 vm8, $0xFF800000, v5  }
0x179: {  	vm8 =	vgt.s32 v4, $0x0;
	s21 =	smul.u32 $0x5, s22;
	[tilespmem:s19+$0x0] =	vst @p3 v5  }
0x17a: {  	v4 =	vnsel vm8, $0x0, v4;
	v5 =	vld [tilespmem:s20+$0x0]  }
0x17b: {  	p3 =	seq.s32 s23, s17;
	vm8 =	vmmov vm0;
	v4 =	vmul.u32 s21, v4  }
0x17c: {  	vm9 =	veq.s32 v6, v3;
	vm8 =	vmneg @p3 vm8  }
0x17d: {  	vm8 =	vmand vm8, vm9;
	vm10 =	vgt.s32 v4, $0x200  }
0x17e: {  	vm8 =	vmor vm8, vm10  }
0x17f: {  	v3 =	vsel vm8, $0xFF800000, v5  }
0x180: {  	[tilespmem:s20+$0x0] =	vst v3  }
.LBB2_50:
0x181: {  	s19 =	simm.s32 $0x0  }
0x182: {  	v4 =	vld [tilespmem:s19+$0x0];
	_ =	sdelay $0x1  }
0x183: {  	s17 =	smul.u32 $0x29, s17;
	_ =	sdelay $0x1  }
0x184: {  	v5 =	vimm.f32 $-Inf;
	s20 =	simm.s32 $0x2;
	s17 =	sadd.s32 s17, s18  }
0x185: {  	v3 =	vimm.s32 $0x0;
	s21 =	simm.s32 $0x10;
	s18 =	simm.s32 $0x1;
	s17 =	sadd.s32 $0x114A, s17;
	vm8 =	vge.f32 v4, v5;
	v4 =	vmax.f32 v5, v4  }
.LBB2_51:
0x186: {  	p3 =	sne.s32 s20, $0xA3  }
0x187: {  	v5 =	vld [tilespmem:s21+$0x0];
	v3 =	vsel vm8, s19, v3;
	s19 =	smov.u32 s18;
	s18 =	smov.u32 s20;
	s20 =	sadd.s32 $0x1, s20  }
.Ltmp28:
0x188: {  	(pc) =	sbr.rel @p3 .LBB2_51-.Ltmp28, $2  }
0x189: {  	_ =	sdelay $0x2  }
0x18a: {  	s21 =	sadd.s32 $0x10, s21;
	vm8 =	vge.f32 v5, v4;
	v4 =	vmax.f32 v4, v5  }
0x18b: {  	v5 =	vld [tilespmem:s21+$0x0];
	_ =	sdelay $0x4  }
0x18c: {  	v6 =	vmax.f32 v4, v5  }
0x18d: {  	(xrf0) =	vmax.scan.msk.f32 $0xffff, v6;
	_ =	sdelay $0x5  }
0x18e: {  	v3 =	vsel vm8, s19, v3;
	vm8 =	vge.f32 v5, v4;
	v4, _, _ =	vpop (xrf0)  }
0x18f: {  	v3 =	vsel vm8, s18, v3;
	v4 =	vbroadcast v4, $0xF  }
0x190: {  	v3 =	vshll.u32 v3, $0x4  }
0x191: {  	v3 =	vxor.u32 v1, v3;
	vm8 =	veq.f32 v6, v4  }
0x192: {  	v3 =	vnsel vm8, $0x7FFFFFFF, v3  }
0x193: {  	(xrf0) =	vmax.scan.msk.u32 $0xffff, v3;
	_ =	sdelay $0x5  }
0x194: {  	v3, _, _ =	vpop (xrf0)  }
0x195: {  	(v2sf) =	vpush v3, $0xF;
	_ =	sdelay $0xe  }
0x196: {  	s29 =	spop (v2sf)  }
0x197: {  	s30 =	sshra.s32 s29, $0x6  }
0x198: {  	s19 =	sxor.u32 $0xFE000000, s30  }
0x199: {  	s19 =	smul.u32 $0x29, s19  }
.Ltmp29:
0x19a: {  	_ = 	snop;
	(pc) =	sbr.rel .LBB2_53-.Ltmp29, $4  }
0x19b: {  	s18 =	sand.u32 $0x3F, s29  }
0x19c: {  	v3 =	vmov s17;
	s18 =	sadd.s32 s19, s18  }
0x19d: {  	v5 =	vnsel vm1, $0x0, v2;
	v2 =	vnsel vm2, $0x0, v3;
	s31 =	sadd.s32 $0x114A, s18  }
0x19e: {  	s17 =	smov.u32 s9;
	v3 =	vsel vm4, v5, v4;
	v2 =	vsel vm3, s31, v2  }
.LBB2_6:
.Ltmp30:
0x19f: {  	(pc) =	sbr.rel .LBB2_11-.Ltmp30, $2  }
0x1a0: {  	_ =	sdelay $0x2  }
0x1a1: {  	_ = 	snop  }
.LBB2_8:
.Ltmp31:
0x1a2: {  	(pc) =	sbr.rel .LBB2_11-.Ltmp31, $2  }
0x1a3: {  	_ =	sdelay $0x2  }
0x1a4: {  	s19 =	smov.u32 s20;
	s20 =	smov.u32 s24;
	s23 =	smov.u32 s21;
	v6 =	vmov v4  }
.LBB2_21:
.Ltmp32:
0x1a5: {  	(pc) =	sbr.rel .LBB2_26-.Ltmp32, $2  }
0x1a6: {  	_ =	sdelay $0x2  }
0x1a7: {  	_ = 	snop  }
.LBB2_31:
.Ltmp33:
0x1a8: {  	(pc) =	sbr.rel .LBB2_36-.Ltmp33, $2  }
0x1a9: {  	_ =	sdelay $0x2  }
0x1aa: {  	_ = 	snop  }
.LBB2_44:
.Ltmp34:
0x1ab: {  	(pc) =	sbr.rel .LBB2_49-.Ltmp34, $2  }
0x1ac: {  	_ =	sdelay $0x2  }
0x1ad: {  	_ = 	snop  }
.LBB2_23:
.Ltmp35:
0x1ae: {  	(pc) =	sbr.rel .LBB2_26-.Ltmp35, $2  }
0x1af: {  	_ =	sdelay $0x2  }
0x1b0: {  	s19 =	smov.u32 s20;
	s20 =	smov.u32 s24;
	s23 =	smov.u32 s21;
	v6 =	vmov v4  }
.LBB2_33:
.Ltmp36:
0x1b1: {  	(pc) =	sbr.rel .LBB2_36-.Ltmp36, $2  }
0x1b2: {  	_ =	sdelay $0x2  }
0x1b3: {  	s20 =	smov.u32 s21;
	s21 =	smov.u32 s25;
	s24 =	smov.u32 s22;
	v7 =	vmov v5  }
.LBB2_46:
.Ltmp37:
0x1b4: {  	(pc) =	sbr.rel .LBB2_49-.Ltmp37, $2  }
0x1b5: {  	_ =	sdelay $0x2  }
0x1b6: {  	s19 =	smov.u32 s20;
	s20 =	smov.u32 s24;
	s23 =	smov.u32 s21;
	v6 =	vmov v4  }
.LBB2_55:
0x1b7: {  	_ =	sfence.sel $0x180000  }
0x1b8: {  	[bflag:$0x0] =	sbarrier.arrive $0xFFFF  }
0x1b9: {  	p0 =	sne.s32 s0, $0x0;
	_ =	strace $0x90000047  }
0x1ba: {  	s0 =	sadd.s32 @!p0 $0x100000, s1;
	[bflag:$0x2] =	sbarrier.arrive $0xFFFF  }
0x1bb: {  	[sflag:s0] =	ssyncadd.tile.s32 @!p0 $0x1;
	_ =	shalt  }
.Lfunc_end2:
_tile_overlayer_lowered:
.L_overlay_start_2:
0x1bc: {  	(tag) =	ssettag $0x2  }
0x1bd: {  	s0 =	rddreg [dreg:$0x0];
	s2 =	stileid.u32  }
0x1be: {  	s1 =	rddreg [dreg:$0x1];
	p0 =	sne.s32 s2, $0x0  }
0x1bf: {  	s3 =	rddreg [dreg:$0x2];
	[bflag:$0x3] =	sbarrier.arrive $0xFFFF;
	s2 =	simm.s32 @!p0 $0x1C01  }
0x1c0: {  	[timem:s3], [sflag:s2] =	dma.local @!p0 [hbm:s0], s1  }
0x1c1: {  	s0 =	simm.s32 @!p0 $0x1  }
0x1c2: {  	_ =	swait.ge @!p0 [sflag:s0], s1  }
0x1c3: {  	s1 =	ssub.s32 @!p0 $0x0, s1;
	[sflag:s0] =	ssyncset.done @!p0 $0x0  }
0x1c4: {  	[sflag:s0] =	ssyncadd.s32 @!p0 s1  }
0x1c5: {  	[bflag:$0x3] =	sbarrier.arrive $0xFFFF  }
0x1c6: {  	_ =	shalt  }

</sc_bundles>
